<compile_context>
chip_gen: v7x
topology: tpu7x:2x2x1
jax: 0.10.2.dev20260603
libtpu: 0.0.44.dev20260713+nightly
codegen_flags: <defaults>
</compile_context>

<pallas_src>
import functools

import jax
import jax.numpy as jnp
import numpy as np
from jax import lax
from jax.experimental import pallas as pl
from jax.experimental.pallas import tpu as pltpu
from jax.experimental.pallas import tpu_sc as plsc

B = 16384
NUM_NUMERICAL = 13
N_CAT = 26
VOCAB = 100000
D_TOKEN = 32
N_TOK = 1 + NUM_NUMERICAL + N_CAT
N_NC = 1 + NUM_NUMERICAL

NUM_PAD = 16
CH = 64
LANES = 16

RV = 3584
FSTRIDE = 25088
RNB = FSTRIDE // RV
PACKED_ROWS = N_CAT * FSTRIDE * 4


def _repack_body(t0, t1, t2, t3, o_ref):
    x = jnp.concatenate([t0[0], t1[0], t2[0], t3[0]], axis=0)
    o_ref[...] = jnp.transpose(x, (1, 0))


def _repack_table(tbl_t):
    specs = [
        pl.BlockSpec((1, D_TOKEN, RV),
                     lambda c, v, p=p: (c, 0, p * RNB + v))
        for p in range(4)
    ]
    return pl.pallas_call(
        _repack_body,
        grid=(N_CAT, RNB),
        in_specs=specs,
        out_specs=pl.BlockSpec((RV, 128), lambda c, v: (c * RNB + v, 0)),
        out_shape=jax.ShapeDtypeStruct((PACKED_ROWS // 4, 128), jnp.float32),
    )(tbl_t, tbl_t, tbl_t, tbl_t)


def _outxpose_body(x_ref, o_ref):
    o_ref[...] = jnp.transpose(x_ref[...], (1, 0))


def _outxpose(flat):
    return pl.pallas_call(
        _outxpose_body,
        grid=(10,),
        in_specs=[pl.BlockSpec((B, 128), lambda g: (0, g))],
        out_specs=pl.BlockSpec((128, B), lambda g: (g, 0)),
        out_shape=jax.ShapeDtypeStruct((N_TOK * D_TOKEN, B), jnp.float32),
        compiler_params=pltpu.CompilerParams(
            vmem_limit_bytes=60 * 1024 * 1024),
    )(flat)


def _tokenizer_body(x_num_hbm, x_cat_hbm, cls_hbm, w_hbm, bias_hbm,
                    tables_hbm, crow_hbm, cpat_hbm, npat_hbm, out_hbm,
                    xcat_v, row_v, crow_v, cpat_v, npat_v,
                    cdidx_v, ndidx_v, xnum_v, w_v, b_v, cls_v,
                    cat_v, numcls_v, gsem, ssem):
    info = plsc.get_sparse_core_info()
    nc, ns = info.num_cores, info.num_subcores
    nw = nc * ns
    rows_per_w = B // nw
    nch = rows_per_w // CH
    ids_per_ch = CH * N_CAT
    nc_per_ch = CH * N_NC

    wid = lax.axis_index("s") * nc + lax.axis_index("c")

    pltpu.sync_copy(w_hbm, w_v)
    pltpu.sync_copy(bias_hbm, b_v)
    pltpu.sync_copy(cls_hbm, cls_v)
    pltpu.sync_copy(crow_hbm, crow_v)
    pltpu.sync_copy(cpat_hbm, cpat_v)
    pltpu.sync_copy(npat_hbm, npat_v)

    def chunk_body(k, carry):
        base = (wid * nch + k) * CH

        pltpu.sync_copy(x_cat_hbm.at[pl.ds(base * N_CAT, ids_per_ch)], xcat_v)
        pltpu.sync_copy(x_num_hbm.at[pl.ds(base * NUM_PAD, CH * NUM_PAD)],
                        xnum_v)

        obase = base * N_TOK

        def idx_body(i, _):
            s = pl.ds(i * LANES, LANES)
            v = xcat_v[s]
            one = jnp.full((LANES,), 1, jnp.int32)
            zero = jnp.full((LANES,), 0, jnp.int32)
            p = (jnp.where(v >= FSTRIDE, one, zero)
                 + jnp.where(v >= 2 * FSTRIDE, one, zero)
                 + jnp.where(v >= 3 * FSTRIDE, one, zero))
            row_v[s] = crow_v[s] + ((v - p * FSTRIDE) << 2) + p
            cdidx_v[s] = cpat_v[s] + obase
            return 0

        def nd_body(i, _):
            s = pl.ds(i * LANES, LANES)
            ndidx_v[s] = npat_v[s] + obase
            return 0

        lax.fori_loop(0, ids_per_ch // LANES, idx_body, 0)
        lax.fori_loop(0, nc_per_ch // LANES, nd_body, 0)

        pltpu.async_copy(tables_hbm.at[row_v], cat_v, gsem)

        cls0 = cls_v[pl.ds(0, LANES)]
        cls1 = cls_v[pl.ds(LANES, LANES)]

        def num_body(bi, _):
            r = bi * N_NC
            numcls_v[r, pl.ds(0, LANES)] = cls0
            numcls_v[r, pl.ds(LANES, LANES)] = cls1
            xrow = xnum_v[pl.ds(bi * NUM_PAD, NUM_PAD)]
            for j in range(NUM_NUMERICAL):
                xs = xrow[j]
                numcls_v[r + 1 + j, pl.ds(0, LANES)] = (
                    xs * w_v[j, pl.ds(0, LANES)] + b_v[j, pl.ds(0, LANES)])
                numcls_v[r + 1 + j, pl.ds(LANES, LANES)] = (
                    xs * w_v[j, pl.ds(LANES, LANES)] + b_v[j, pl.ds(LANES, LANES)])
            return 0

        lax.fori_loop(0, CH, num_body, 0)

        pltpu.async_copy(numcls_v, out_hbm.at[ndidx_v], ssem)

        pltpu.make_async_copy(tables_hbm.at[row_v], cat_v, gsem).wait()
        pltpu.async_copy(cat_v, out_hbm.at[cdidx_v], ssem)

        pltpu.make_async_copy(numcls_v, out_hbm.at[ndidx_v], ssem).wait()
        pltpu.make_async_copy(cat_v, out_hbm.at[cdidx_v], ssem).wait()
        return 0

    lax.fori_loop(0, nch, chunk_body, 0)


@functools.partial(jax.jit, static_argnames=())
def kernel(x_num, x_cat, cls_token, num_weights, num_biases, cat_tables):
    tbl_t = jnp.transpose(cat_tables, (0, 2, 1))
    tables_packed = _repack_table(tbl_t).reshape(PACKED_ROWS, D_TOKEN)

    x_nump = jnp.concatenate(
        [x_num, jnp.zeros((B, NUM_PAD - NUM_NUMERICAL), jnp.float32)], axis=1
    ).reshape(B * NUM_PAD)
    x_cat_flat = x_cat.astype(jnp.int32).reshape(B * N_CAT)
    cls_flat = cls_token.reshape(D_TOKEN)

    p = np.arange(CH * N_CAT, dtype=np.int32)
    crow_np = (p % N_CAT) * (4 * FSTRIDE)
    cpat_np = (p // N_CAT) * N_TOK + N_NC + (p % N_CAT)
    q = np.arange(CH * N_NC, dtype=np.int32)
    npat_np = (q // N_NC) * N_TOK + (q % N_NC)

    mesh = plsc.VectorSubcoreMesh(core_axis_name="c", subcore_axis_name="s")
    run = pl.kernel(
        _tokenizer_body,
        out_type=jax.ShapeDtypeStruct((B * N_TOK, D_TOKEN), jnp.float32),
        mesh=mesh,
        compiler_params=pltpu.CompilerParams(use_tc_tiling_on_sc=False),
        scratch_types=[
            pltpu.VMEM((CH * N_CAT,), jnp.int32),
            pltpu.VMEM((CH * N_CAT,), jnp.int32),
            pltpu.VMEM((CH * N_CAT,), jnp.int32),
            pltpu.VMEM((CH * N_CAT,), jnp.int32),
            pltpu.VMEM((CH * N_NC,), jnp.int32),
            pltpu.VMEM((CH * N_CAT,), jnp.int32),
            pltpu.VMEM((CH * N_NC,), jnp.int32),
            pltpu.VMEM((CH * NUM_PAD,), jnp.float32),
            pltpu.VMEM((NUM_NUMERICAL, D_TOKEN), jnp.float32),
            pltpu.VMEM((NUM_NUMERICAL, D_TOKEN), jnp.float32),
            pltpu.VMEM((D_TOKEN,), jnp.float32),
            pltpu.VMEM((CH * N_CAT, D_TOKEN), jnp.float32),
            pltpu.VMEM((CH * N_NC, D_TOKEN), jnp.float32),
            pltpu.SemaphoreType.DMA,
            pltpu.SemaphoreType.DMA,
        ],
    )
    out_flat = run(x_nump, x_cat_flat, cls_flat, num_weights, num_biases,
                   tables_packed, jnp.asarray(crow_np), jnp.asarray(cpat_np),
                   jnp.asarray(npat_np))
    out_t = _outxpose(out_flat.reshape(B, N_TOK * D_TOKEN))
    return jnp.transpose(
        out_t.reshape(N_TOK, D_TOKEN, B), (2, 0, 1))

# --- scband reference (transcript-rebuilt; emitter-appended) ---
"""Pipeline reference for scband-feature-tokenizer-4655744549211 (READ-ONLY COPY).

The authoritative reference and input builder live on the scoring server;
editing this copy changes nothing except your own understanding.
"""

import jax, jax.numpy as jnp
import numpy as np

B = 16384
NUM_NUMERICAL = 13
N_CAT = 26
VOCAB = 100000
D_TOKEN = 32


def setup_inputs(seed: int = 0) -> dict:
    key = jax.random.key(seed)
    k1, k2, k3, k4, k5, k6 = jax.random.split(key, 6)
    x_num = jax.random.normal(k1, (B, NUM_NUMERICAL), dtype=jnp.float32)
    x_cat = jax.random.randint(k2, (B, N_CAT), 0, VOCAB, dtype=jnp.int64)
    cls_token = jax.random.normal(k3, (1, 1, D_TOKEN), dtype=jnp.float32)
    num_weights = jax.random.normal(k4, (NUM_NUMERICAL, D_TOKEN), dtype=jnp.float32)
    num_biases = jax.random.normal(k5, (NUM_NUMERICAL, D_TOKEN), dtype=jnp.float32)
    # 26 embedding tables, each [VOCAB, D_TOKEN], stacked along axis 0
    cat_tables = jax.random.normal(k6, (N_CAT, VOCAB, D_TOKEN), dtype=jnp.float32)
    return {
        "x_num": x_num,
        "x_cat": x_cat,
        "cls_token": cls_token,
        "num_weights": num_weights,
        "num_biases": num_biases,
        "cat_tables": cat_tables,
    }


def reference(x_num, x_cat, cls_token, num_weights, num_biases, cat_tables):
    batch_size = x_num.shape[0]
    # numerical tokens: [B, num_numerical, d_token]
    num_tokens = x_num[:, :, None] * num_weights[None, :, :] + num_biases[None, :, :]
    # categorical tokens: per-field embedding lookup -> [B, n_cat, d_token]
    field_ids = jnp.arange(N_CAT)[None, :]  # [1, N_CAT]
    cat_tokens = cat_tables[field_ids, x_cat]  # advanced indexing gather -> [B, N_CAT, D_TOKEN]
    feature_tokens = jnp.concatenate([num_tokens, cat_tokens], axis=1)
    cls_tokens = jnp.broadcast_to(cls_token, (batch_size, 1, D_TOKEN))
    return jnp.concatenate([cls_tokens, feature_tokens], axis=1)

if __name__ == "__main__":
    import jax
    _d = setup_inputs()
    print(jax.jit(kernel)(*tuple(_d.values())))

</pallas_src>

<mosaic_0001>
#map = affine_map<(d0, d1) -> (0)>
#map1 = affine_map<(d0, d1) -> (0, 0)>
module attributes {stable_mosaic.version = 14 : i64} {
  func.func @_tokenizer_body(%arg0: i32, %arg1: i32, %arg2: memref<262144xf32, #tpu.memory_space<hbm>>, %arg3: memref<425984xi32, #tpu.memory_space<hbm>>, %arg4: memref<32xf32, #tpu.memory_space<hbm>>, %arg5: memref<13x32xf32, #tpu.memory_space<hbm>>, %arg6: memref<13x32xf32, #tpu.memory_space<hbm>>, %arg7: memref<2609152x32xf32, #tpu.memory_space<hbm>>, %arg8: memref<1664xi32, #tpu.memory_space<hbm>>, %arg9: memref<1664xi32, #tpu.memory_space<hbm>>, %arg10: memref<896xi32, #tpu.memory_space<hbm>>, %arg11: memref<655360x32xf32, #tpu.memory_space<hbm>>, %arg12: memref<1664xi32, #tpu.memory_space<vmem>>, %arg13: memref<1664xi32, #tpu.memory_space<vmem>>, %arg14: memref<1664xi32, #tpu.memory_space<vmem>>, %arg15: memref<1664xi32, #tpu.memory_space<vmem>>, %arg16: memref<896xi32, #tpu.memory_space<vmem>>, %arg17: memref<1664xi32, #tpu.memory_space<vmem>>, %arg18: memref<896xi32, #tpu.memory_space<vmem>>, %arg19: memref<1024xf32, #tpu.memory_space<vmem>>, %arg20: memref<13x32xf32, #tpu.memory_space<vmem>>, %arg21: memref<13x32xf32, #tpu.memory_space<vmem>>, %arg22: memref<32xf32, #tpu.memory_space<vmem>>, %arg23: memref<1664x32xf32, #tpu.memory_space<vmem>>, %arg24: memref<896x32xf32, #tpu.memory_space<vmem>>, %arg25: memref<!tpu.dma_semaphore, #tpu.memory_space<semaphore_mem>>, %arg26: memref<!tpu.dma_semaphore, #tpu.memory_space<semaphore_mem>>) attributes {dimension_semantics = [#tpu.dimension_semantics<core_parallel>, #tpu.dimension_semantics<subcore_parallel>], iteration_bounds = array<i64: 2, 16>, scalar_prefetch = 0 : i64, scratch_operands = 15 : i64, tpu.core_type = #tpu.core_type<sc_vector_subcore>, window_params = [{transform_indices = #map}, {transform_indices = #map}, {transform_indices = #map}, {transform_indices = #map1}, {transform_indices = #map1}, {transform_indices = #map1}, {transform_indices = #map}, {transform_indices = #map}, {transform_indices = #map}, {transform_indices = #map1}]} {
    %mul3A = arith.constant 2 : i32
    %mul3A_0 = arith.muli %arg1, %mul3A : i32
    %add3A = arith.addi %mul3A_0, %arg0 : i32
    "tpu.region"() ({
      %run_scoped3A = tpu.sem_alloc : memref<!tpu.dma_semaphore, #tpu.memory_space<semaphore_mem>>
      tpu.enqueue_dma source(%arg5 : memref<13x32xf32, #tpu.memory_space<hbm>>) target(%arg20 : memref<13x32xf32, #tpu.memory_space<vmem>>) target_semaphore(%run_scoped3A : memref<!tpu.dma_semaphore, #tpu.memory_space<semaphore_mem>>)
      tpu.wait_dma2 semaphore(%run_scoped3A : memref<!tpu.dma_semaphore, #tpu.memory_space<semaphore_mem>>) src(%arg5 : memref<13x32xf32, #tpu.memory_space<hbm>>) dst(%arg20 : memref<13x32xf32, #tpu.memory_space<vmem>>)
      tpu.yield
    }) : () -> ()
    "tpu.region"() ({
      %run_scoped3A = tpu.sem_alloc : memref<!tpu.dma_semaphore, #tpu.memory_space<semaphore_mem>>
      tpu.enqueue_dma source(%arg6 : memref<13x32xf32, #tpu.memory_space<hbm>>) target(%arg21 : memref<13x32xf32, #tpu.memory_space<vmem>>) target_semaphore(%run_scoped3A : memref<!tpu.dma_semaphore, #tpu.memory_space<semaphore_mem>>)
      tpu.wait_dma2 semaphore(%run_scoped3A : memref<!tpu.dma_semaphore, #tpu.memory_space<semaphore_mem>>) src(%arg6 : memref<13x32xf32, #tpu.memory_space<hbm>>) dst(%arg21 : memref<13x32xf32, #tpu.memory_space<vmem>>)
      tpu.yield
    }) : () -> ()
    "tpu.region"() ({
      %run_scoped3A = tpu.sem_alloc : memref<!tpu.dma_semaphore, #tpu.memory_space<semaphore_mem>>
      tpu.enqueue_dma source(%arg4 : memref<32xf32, #tpu.memory_space<hbm>>) target(%arg22 : memref<32xf32, #tpu.memory_space<vmem>>) target_semaphore(%run_scoped3A : memref<!tpu.dma_semaphore, #tpu.memory_space<semaphore_mem>>)
      tpu.wait_dma2 semaphore(%run_scoped3A : memref<!tpu.dma_semaphore, #tpu.memory_space<semaphore_mem>>) src(%arg4 : memref<32xf32, #tpu.memory_space<hbm>>) dst(%arg22 : memref<32xf32, #tpu.memory_space<vmem>>)
      tpu.yield
    }) : () -> ()
    "tpu.region"() ({
      %run_scoped3A = tpu.sem_alloc : memref<!tpu.dma_semaphore, #tpu.memory_space<semaphore_mem>>
      tpu.enqueue_dma source(%arg8 : memref<1664xi32, #tpu.memory_space<hbm>>) target(%arg14 : memref<1664xi32, #tpu.memory_space<vmem>>) target_semaphore(%run_scoped3A : memref<!tpu.dma_semaphore, #tpu.memory_space<semaphore_mem>>)
      tpu.wait_dma2 semaphore(%run_scoped3A : memref<!tpu.dma_semaphore, #tpu.memory_space<semaphore_mem>>) src(%arg8 : memref<1664xi32, #tpu.memory_space<hbm>>) dst(%arg14 : memref<1664xi32, #tpu.memory_space<vmem>>)
      tpu.yield
    }) : () -> ()
    "tpu.region"() ({
      %run_scoped3A = tpu.sem_alloc : memref<!tpu.dma_semaphore, #tpu.memory_space<semaphore_mem>>
      tpu.enqueue_dma source(%arg9 : memref<1664xi32, #tpu.memory_space<hbm>>) target(%arg15 : memref<1664xi32, #tpu.memory_space<vmem>>) target_semaphore(%run_scoped3A : memref<!tpu.dma_semaphore, #tpu.memory_space<semaphore_mem>>)
      tpu.wait_dma2 semaphore(%run_scoped3A : memref<!tpu.dma_semaphore, #tpu.memory_space<semaphore_mem>>) src(%arg9 : memref<1664xi32, #tpu.memory_space<hbm>>) dst(%arg15 : memref<1664xi32, #tpu.memory_space<vmem>>)
      tpu.yield
    }) : () -> ()
    "tpu.region"() ({
      %run_scoped3A = tpu.sem_alloc : memref<!tpu.dma_semaphore, #tpu.memory_space<semaphore_mem>>
      tpu.enqueue_dma source(%arg10 : memref<896xi32, #tpu.memory_space<hbm>>) target(%arg16 : memref<896xi32, #tpu.memory_space<vmem>>) target_semaphore(%run_scoped3A : memref<!tpu.dma_semaphore, #tpu.memory_space<semaphore_mem>>)
      tpu.wait_dma2 semaphore(%run_scoped3A : memref<!tpu.dma_semaphore, #tpu.memory_space<semaphore_mem>>) src(%arg10 : memref<896xi32, #tpu.memory_space<hbm>>) dst(%arg16 : memref<896xi32, #tpu.memory_space<vmem>>)
      tpu.yield
    }) : () -> ()
    %scan3A = arith.constant 0 : i32
    %scan3A_1 = arith.constant 0 : i32
    %scan3A_2 = arith.constant 8 : i32
    %scan3A_3 = arith.addi %scan3A_1, %scan3A_2 : i32
    %scan3A_4 = arith.constant 1 : i32
    %scan3A_5 = scf.for %scan3A_7 = %scan3A_1 to %scan3A_3 step %scan3A_4 iter_args(%scan3A_8 = %scan3A) -> (i32)  : i32 {
      %mul3A_9 = arith.constant 8 : i32
      %mul3A_10 = arith.muli %add3A, %mul3A_9 : i32
      %add3A_11 = arith.addi %mul3A_10, %scan3A_7 : i32
      %mul3A_12 = arith.constant 64 : i32
      %mul3A_13 = arith.muli %add3A_11, %mul3A_12 : i32
      %mul3A_14 = arith.constant 26 : i32
      %mul3A_15 = arith.muli %mul3A_13, %mul3A_14 : i32
      "tpu.region"() ({
        %run_scoped3A = tpu.sem_alloc : memref<!tpu.dma_semaphore, #tpu.memory_space<semaphore_mem>>
        %dma_start3A_63 = tpu.memref_slice %arg3[%mul3A_15] : memref<425984xi32, #tpu.memory_space<hbm>> -> memref<1664xi32, #tpu.memory_space<hbm>>
        %dma_start3A_64 = tpu.memref_slice %arg3[%mul3A_15] : memref<425984xi32, #tpu.memory_space<hbm>> -> memref<1664xi32, #tpu.memory_space<hbm>>
        tpu.enqueue_dma source(%dma_start3A_64 : memref<1664xi32, #tpu.memory_space<hbm>>) target(%arg12 : memref<1664xi32, #tpu.memory_space<vmem>>) target_semaphore(%run_scoped3A : memref<!tpu.dma_semaphore, #tpu.memory_space<semaphore_mem>>)
        %dma_wait3A_65 = tpu.memref_slice %arg3[%mul3A_15] : memref<425984xi32, #tpu.memory_space<hbm>> -> memref<1664xi32, #tpu.memory_space<hbm>>
        %dma_wait3A_66 = tpu.memref_slice %arg3[%mul3A_15] : memref<425984xi32, #tpu.memory_space<hbm>> -> memref<1664xi32, #tpu.memory_space<hbm>>
        tpu.wait_dma2 semaphore(%run_scoped3A : memref<!tpu.dma_semaphore, #tpu.memory_space<semaphore_mem>>) src(%dma_wait3A_66 : memref<1664xi32, #tpu.memory_space<hbm>>) dst(%arg12 : memref<1664xi32, #tpu.memory_space<vmem>>)
        tpu.yield
      }) : () -> ()
      %mul3A_16 = arith.constant 16 : i32
      %mul3A_17 = arith.muli %mul3A_13, %mul3A_16 : i32
      "tpu.region"() ({
        %run_scoped3A = tpu.sem_alloc : memref<!tpu.dma_semaphore, #tpu.memory_space<semaphore_mem>>
        %dma_start3A_63 = tpu.memref_slice %arg2[%mul3A_17] : memref<262144xf32, #tpu.memory_space<hbm>> -> memref<1024xf32, #tpu.memory_space<hbm>>
        %dma_start3A_64 = tpu.memref_slice %arg2[%mul3A_17] : memref<262144xf32, #tpu.memory_space<hbm>> -> memref<1024xf32, #tpu.memory_space<hbm>>
        tpu.enqueue_dma source(%dma_start3A_64 : memref<1024xf32, #tpu.memory_space<hbm>>) target(%arg19 : memref<1024xf32, #tpu.memory_space<vmem>>) target_semaphore(%run_scoped3A : memref<!tpu.dma_semaphore, #tpu.memory_space<semaphore_mem>>)
        %dma_wait3A_65 = tpu.memref_slice %arg2[%mul3A_17] : memref<262144xf32, #tpu.memory_space<hbm>> -> memref<1024xf32, #tpu.memory_space<hbm>>
        %dma_wait3A_66 = tpu.memref_slice %arg2[%mul3A_17] : memref<262144xf32, #tpu.memory_space<hbm>> -> memref<1024xf32, #tpu.memory_space<hbm>>
        tpu.wait_dma2 semaphore(%run_scoped3A : memref<!tpu.dma_semaphore, #tpu.memory_space<semaphore_mem>>) src(%dma_wait3A_66 : memref<1024xf32, #tpu.memory_space<hbm>>) dst(%arg19 : memref<1024xf32, #tpu.memory_space<vmem>>)
        tpu.yield
      }) : () -> ()
      %mul3A_18 = arith.constant 40 : i32
      %mul3A_19 = arith.muli %mul3A_13, %mul3A_18 : i32
      %scan3A_20 = arith.constant 0 : i32
      %scan3A_21 = arith.constant 0 : i32
      %scan3A_22 = arith.constant 104 : i32
      %scan3A_23 = arith.addi %scan3A_21, %scan3A_22 : i32
      %scan3A_24 = arith.constant 1 : i32
      %scan3A_25 = scf.for %scan3A_63 = %scan3A_21 to %scan3A_23 step %scan3A_24 iter_args(%scan3A_64 = %scan3A_20) -> (i32)  : i32 {
        %mul3A_65 = arith.constant 16 : i32
        %mul3A_66 = arith.muli %scan3A_63, %mul3A_65 : i32
        %get3A_67 = arith.index_cast %mul3A_66 : i32 to index
        %get3A_68 = tpu.vector_load %arg12[%get3A_67] {strides = array<i32>} : memref<1664xi32, #tpu.memory_space<vmem>>, vector<16xi32>,
        %get3A_69 = vector.shape_cast %get3A_68 : vector<16xi32> to vector<16xi32>
        %broadcast_in_dim3A = arith.constant 1 : i32
        %broadcast_in_dim3A_70 = vector.broadcast %broadcast_in_dim3A : i32 to vector<16xi32>
        %broadcast_in_dim3A_71 = arith.constant 0 : i32
        %broadcast_in_dim3A_72 = vector.broadcast %broadcast_in_dim3A_71 : i32 to vector<16xi32>
        %ge3A = arith.constant 25088 : i32
        %ge3A_73 = vector.broadcast %ge3A : i32 to vector<16xi32>
        %ge3A_74 = arith.cmpi sge, %get3A_69, %ge3A_73 : vector<16xi32>
        %select_n3A = arith.select %ge3A_74, %broadcast_in_dim3A_70, %broadcast_in_dim3A_72 : vector<16xi1>, vector<16xi32>
        %ge3A_75 = arith.constant 50176 : i32
        %ge3A_76 = vector.broadcast %ge3A_75 : i32 to vector<16xi32>
        %ge3A_77 = arith.cmpi sge, %get3A_69, %ge3A_76 : vector<16xi32>
        %select_n3A_78 = arith.select %ge3A_77, %broadcast_in_dim3A_70, %broadcast_in_dim3A_72 : vector<16xi1>, vector<16xi32>
        %add3A_79 = arith.addi %select_n3A, %select_n3A_78 : vector<16xi32>
        %ge3A_80 = arith.constant 75264 : i32
        %ge3A_81 = vector.broadcast %ge3A_80 : i32 to vector<16xi32>
        %ge3A_82 = arith.cmpi sge, %get3A_69, %ge3A_81 : vector<16xi32>
        %select_n3A_83 = arith.select %ge3A_82, %broadcast_in_dim3A_70, %broadcast_in_dim3A_72 : vector<16xi1>, vector<16xi32>
        %add3A_84 = arith.addi %add3A_79, %select_n3A_83 : vector<16xi32>
        %get3A_85 = arith.index_cast %mul3A_66 : i32 to index
        %get3A_86 = tpu.vector_load %arg14[%get3A_85] {strides = array<i32>} : memref<1664xi32, #tpu.memory_space<vmem>>, vector<16xi32>,
        %get3A_87 = vector.shape_cast %get3A_86 : vector<16xi32> to vector<16xi32>
        %mul3A_88 = arith.constant 25088 : i32
        %mul3A_89 = vector.broadcast %mul3A_88 : i32 to vector<16xi32>
        %mul3A_90 = arith.muli %add3A_84, %mul3A_89 : vector<16xi32>
        %sub3A = arith.subi %get3A_69, %mul3A_90 : vector<16xi32>
        %shift_left3A = arith.constant 2 : i32
        %shift_left3A_91 = vector.broadcast %shift_left3A : i32 to vector<16xi32>
        %shift_left3A_92 = arith.shli %sub3A, %shift_left3A_91 : vector<16xi32>
        %add3A_93 = arith.addi %get3A_87, %shift_left3A_92 : vector<16xi32>
        %add3A_94 = arith.addi %add3A_93, %add3A_84 : vector<16xi32>
        %swap3A = arith.index_cast %mul3A_66 : i32 to index
        %swap3A_95 = tpu.vector_load %arg13[%swap3A] {strides = array<i32>} : memref<1664xi32, #tpu.memory_space<vmem>>, vector<16xi32>,
        %swap3A_96 = vector.shape_cast %swap3A_95 : vector<16xi32> to vector<16xi32>
        %swap3A_97 = vector.shape_cast %add3A_94 : vector<16xi32> to vector<16xi32>
        tpu.vector_store %arg13[%swap3A], %swap3A_97 {strides = array<i32>} : memref<1664xi32, #tpu.memory_space<vmem>>, vector<16xi32>,
        %get3A_98 = arith.index_cast %mul3A_66 : i32 to index
        %get3A_99 = tpu.vector_load %arg15[%get3A_98] {strides = array<i32>} : memref<1664xi32, #tpu.memory_space<vmem>>, vector<16xi32>,
        %get3A_100 = vector.shape_cast %get3A_99 : vector<16xi32> to vector<16xi32>
        %add3A_101 = vector.broadcast %mul3A_19 : i32 to vector<16xi32>
        %add3A_102 = arith.addi %get3A_100, %add3A_101 : vector<16xi32>
        %swap3A_103 = arith.index_cast %mul3A_66 : i32 to index
        %swap3A_104 = tpu.vector_load %arg17[%swap3A_103] {strides = array<i32>} : memref<1664xi32, #tpu.memory_space<vmem>>, vector<16xi32>,
        %swap3A_105 = vector.shape_cast %swap3A_104 : vector<16xi32> to vector<16xi32>
        %swap3A_106 = vector.shape_cast %add3A_102 : vector<16xi32> to vector<16xi32>
        tpu.vector_store %arg17[%swap3A_103], %swap3A_106 {strides = array<i32>} : memref<1664xi32, #tpu.memory_space<vmem>>, vector<16xi32>,
        %scan3A_107 = arith.constant 0 : i32
        scf.yield %scan3A_107 : i32
      }
      %scan3A_26 = arith.constant 104 : i32
      %scan3A_27 = arith.constant 0 : i32
      %scan3A_28 = arith.constant 0 : i32
      %scan3A_29 = arith.constant 56 : i32
      %scan3A_30 = arith.addi %scan3A_28, %scan3A_29 : i32
      %scan3A_31 = arith.constant 1 : i32
      %scan3A_32 = scf.for %scan3A_63 = %scan3A_28 to %scan3A_30 step %scan3A_31 iter_args(%scan3A_64 = %scan3A_27) -> (i32)  : i32 {
        %mul3A_65 = arith.constant 16 : i32
        %mul3A_66 = arith.muli %scan3A_63, %mul3A_65 : i32
        %get3A_67 = arith.index_cast %mul3A_66 : i32 to index
        %get3A_68 = tpu.vector_load %arg16[%get3A_67] {strides = array<i32>} : memref<896xi32, #tpu.memory_space<vmem>>, vector<16xi32>,
        %get3A_69 = vector.shape_cast %get3A_68 : vector<16xi32> to vector<16xi32>
        %add3A_70 = vector.broadcast %mul3A_19 : i32 to vector<16xi32>
        %add3A_71 = arith.addi %get3A_69, %add3A_70 : vector<16xi32>
        %swap3A = arith.index_cast %mul3A_66 : i32 to index
        %swap3A_72 = tpu.vector_load %arg18[%swap3A] {strides = array<i32>} : memref<896xi32, #tpu.memory_space<vmem>>, vector<16xi32>,
        %swap3A_73 = vector.shape_cast %swap3A_72 : vector<16xi32> to vector<16xi32>
        %swap3A_74 = vector.shape_cast %add3A_71 : vector<16xi32> to vector<16xi32>
        tpu.vector_store %arg18[%swap3A], %swap3A_74 {strides = array<i32>} : memref<896xi32, #tpu.memory_space<vmem>>, vector<16xi32>,
        %scan3A_75 = arith.constant 0 : i32
        scf.yield %scan3A_75 : i32
      }
      %scan3A_33 = arith.constant 56 : i32
      %dma_start3A = arith.constant 0 : i32
      %dma_start3A_34 = arith.constant 0 : i32
      %dma_start3A_35 = tpu.memref_slice %arg7[%dma_start3A, %dma_start3A_34] : memref<2609152x32xf32, #tpu.memory_space<hbm>> -> memref<2609152x32xf32, #tpu.memory_space<hbm>>
      tpu.enqueue_indirect_dma source(%dma_start3A_35 : memref<2609152x32xf32, #tpu.memory_space<hbm>>) target(%arg23 : memref<1664x32xf32, #tpu.memory_space<vmem>>) offsets(%arg13 : memref<1664xi32, #tpu.memory_space<vmem>>) semaphore(%arg25 : memref<!tpu.dma_semaphore, #tpu.memory_space<semaphore_mem>>)
      %get3A = arith.constant 0 : index
      %get3A_36 = tpu.vector_load %arg22[%get3A] {strides = array<i32>} : memref<32xf32, #tpu.memory_space<vmem>>, vector<16xf32>,
      %get3A_37 = vector.shape_cast %get3A_36 : vector<16xf32> to vector<16xf32>
      %get3A_38 = arith.constant 16 : index
      %get3A_39 = tpu.vector_load %arg22[%get3A_38] {strides = array<i32>} : memref<32xf32, #tpu.memory_space<vmem>>, vector<16xf32>,
      %get3A_40 = vector.shape_cast %get3A_39 : vector<16xf32> to vector<16xf32>
      %scan3A_41 = arith.constant 0 : i32
      %scan3A_42 = arith.constant 0 : i32
      %scan3A_43 = arith.constant 64 : i32
      %scan3A_44 = arith.addi %scan3A_42, %scan3A_43 : i32
      %scan3A_45 = arith.constant 1 : i32
      %scan3A_46 = scf.for %scan3A_63 = %scan3A_42 to %scan3A_44 step %scan3A_45 iter_args(%scan3A_64 = %scan3A_41) -> (i32)  : i32 {
        %mul3A_65 = arith.constant 14 : i32
        %mul3A_66 = arith.muli %scan3A_63, %mul3A_65 : i32
        %swap3A = arith.index_cast %mul3A_66 : i32 to index
        %swap3A_67 = arith.constant 0 : index
        %swap3A_68 = tpu.vector_load %arg24[%swap3A, %swap3A_67] {strides = array<i32>} : memref<896x32xf32, #tpu.memory_space<vmem>>, vector<1x16xf32>,
        %swap3A_69 = vector.shape_cast %swap3A_68 : vector<1x16xf32> to vector<16xf32>
        %swap3A_70 = vector.shape_cast %get3A_37 : vector<16xf32> to vector<1x16xf32>
        tpu.vector_store %arg24[%swap3A, %swap3A_67], %swap3A_70 {strides = array<i32>} : memref<896x32xf32, #tpu.memory_space<vmem>>, vector<1x16xf32>,
        %swap3A_71 = arith.index_cast %mul3A_66 : i32 to index
        %swap3A_72 = arith.constant 16 : index
        %swap3A_73 = tpu.vector_load %arg24[%swap3A_71, %swap3A_72] {strides = array<i32>} : memref<896x32xf32, #tpu.memory_space<vmem>>, vector<1x16xf32>,
        %swap3A_74 = vector.shape_cast %swap3A_73 : vector<1x16xf32> to vector<16xf32>
        %swap3A_75 = vector.shape_cast %get3A_40 : vector<16xf32> to vector<1x16xf32>
        tpu.vector_store %arg24[%swap3A_71, %swap3A_72], %swap3A_75 {strides = array<i32>} : memref<896x32xf32, #tpu.memory_space<vmem>>, vector<1x16xf32>,
        %mul3A_76 = arith.constant 16 : i32
        %mul3A_77 = arith.muli %scan3A_63, %mul3A_76 : i32
        %get3A_78 = arith.index_cast %mul3A_77 : i32 to index
        %get3A_79 = tpu.vector_load %arg19[%get3A_78] {strides = array<i32>} : memref<1024xf32, #tpu.memory_space<vmem>>, vector<16xf32>,
        %get3A_80 = vector.shape_cast %get3A_79 : vector<16xf32> to vector<16xf32>
        %slice3A = vector.extract_strided_slice %get3A_80 {offsets = [0], sizes = [1], strides = [1]} : vector<16xf32> to vector<1xf32>
        %squeeze3A = vector.extract %slice3A[0] : f32 from vector<1xf32>
        %get3A_81 = arith.constant 0 : i32
        %get3A_82 = arith.index_cast %get3A_81 : i32 to index
        %get3A_83 = arith.constant 0 : index
        %get3A_84 = tpu.vector_load %arg20[%get3A_82, %get3A_83] {strides = array<i32>} : memref<13x32xf32, #tpu.memory_space<vmem>>, vector<1x16xf32>,
        %get3A_85 = vector.shape_cast %get3A_84 : vector<1x16xf32> to vector<16xf32>
        %mul3A_86 = vector.broadcast %squeeze3A : f32 to vector<16xf32>
        %mul3A_87 = arith.mulf %mul3A_86, %get3A_85 : vector<16xf32>
        %get3A_88 = arith.constant 0 : i32
        %get3A_89 = arith.index_cast %get3A_88 : i32 to index
        %get3A_90 = arith.constant 0 : index
        %get3A_91 = tpu.vector_load %arg21[%get3A_89, %get3A_90] {strides = array<i32>} : memref<13x32xf32, #tpu.memory_space<vmem>>, vector<1x16xf32>,
        %get3A_92 = vector.shape_cast %get3A_91 : vector<1x16xf32> to vector<16xf32>
        %add3A_93 = arith.addf %mul3A_87, %get3A_92 : vector<16xf32>
        %add3A_94 = arith.constant 1 : i32
        %add3A_95 = arith.addi %mul3A_66, %add3A_94 : i32
        %add3A_96 = arith.constant 0 : i32
        %add3A_97 = arith.addi %add3A_95, %add3A_96 : i32
        %swap3A_98 = arith.index_cast %add3A_97 : i32 to index
        %swap3A_99 = arith.constant 0 : index
        %swap3A_100 = tpu.vector_load %arg24[%swap3A_98, %swap3A_99] {strides = array<i32>} : memref<896x32xf32, #tpu.memory_space<vmem>>, vector<1x16xf32>,
        %swap3A_101 = vector.shape_cast %swap3A_100 : vector<1x16xf32> to vector<16xf32>
        %swap3A_102 = vector.shape_cast %add3A_93 : vector<16xf32> to vector<1x16xf32>
        tpu.vector_store %arg24[%swap3A_98, %swap3A_99], %swap3A_102 {strides = array<i32>} : memref<896x32xf32, #tpu.memory_space<vmem>>, vector<1x16xf32>,
        %get3A_103 = arith.constant 0 : i32
        %get3A_104 = arith.index_cast %get3A_103 : i32 to index
        %get3A_105 = arith.constant 16 : index
        %get3A_106 = tpu.vector_load %arg20[%get3A_104, %get3A_105] {strides = array<i32>} : memref<13x32xf32, #tpu.memory_space<vmem>>, vector<1x16xf32>,
        %get3A_107 = vector.shape_cast %get3A_106 : vector<1x16xf32> to vector<16xf32>
        %mul3A_108 = vector.broadcast %squeeze3A : f32 to vector<16xf32>
        %mul3A_109 = arith.mulf %mul3A_108, %get3A_107 : vector<16xf32>
        %get3A_110 = arith.constant 0 : i32
        %get3A_111 = arith.index_cast %get3A_110 : i32 to index
        %get3A_112 = arith.constant 16 : index
        %get3A_113 = tpu.vector_load %arg21[%get3A_111, %get3A_112] {strides = array<i32>} : memref<13x32xf32, #tpu.memory_space<vmem>>, vector<1x16xf32>,
        %get3A_114 = vector.shape_cast %get3A_113 : vector<1x16xf32> to vector<16xf32>
        %add3A_115 = arith.addf %mul3A_109, %get3A_114 : vector<16xf32>
        %add3A_116 = arith.constant 1 : i32
        %add3A_117 = arith.addi %mul3A_66, %add3A_116 : i32
        %add3A_118 = arith.constant 0 : i32
        %add3A_119 = arith.addi %add3A_117, %add3A_118 : i32
        %swap3A_120 = arith.index_cast %add3A_119 : i32 to index
        %swap3A_121 = arith.constant 16 : index
        %swap3A_122 = tpu.vector_load %arg24[%swap3A_120, %swap3A_121] {strides = array<i32>} : memref<896x32xf32, #tpu.memory_space<vmem>>, vector<1x16xf32>,
        %swap3A_123 = vector.shape_cast %swap3A_122 : vector<1x16xf32> to vector<16xf32>
        %swap3A_124 = vector.shape_cast %add3A_115 : vector<16xf32> to vector<1x16xf32>
        tpu.vector_store %arg24[%swap3A_120, %swap3A_121], %swap3A_124 {strides = array<i32>} : memref<896x32xf32, #tpu.memory_space<vmem>>, vector<1x16xf32>,
        %slice3A_125 = vector.extract_strided_slice %get3A_80 {offsets = [1], sizes = [1], strides = [1]} : vector<16xf32> to vector<1xf32>
        %squeeze3A_126 = vector.extract %slice3A_125[0] : f32 from vector<1xf32>
        %get3A_127 = arith.constant 1 : i32
        %get3A_128 = arith.index_cast %get3A_127 : i32 to index
        %get3A_129 = arith.constant 0 : index
        %get3A_130 = tpu.vector_load %arg20[%get3A_128, %get3A_129] {strides = array<i32>} : memref<13x32xf32, #tpu.memory_space<vmem>>, vector<1x16xf32>,
        %get3A_131 = vector.shape_cast %get3A_130 : vector<1x16xf32> to vector<16xf32>
        %mul3A_132 = vector.broadcast %squeeze3A_126 : f32 to vector<16xf32>
        %mul3A_133 = arith.mulf %mul3A_132, %get3A_131 : vector<16xf32>
        %get3A_134 = arith.constant 1 : i32
        %get3A_135 = arith.index_cast %get3A_134 : i32 to index
        %get3A_136 = arith.constant 0 : index
        %get3A_137 = tpu.vector_load %arg21[%get3A_135, %get3A_136] {strides = array<i32>} : memref<13x32xf32, #tpu.memory_space<vmem>>, vector<1x16xf32>,
        %get3A_138 = vector.shape_cast %get3A_137 : vector<1x16xf32> to vector<16xf32>
        %add3A_139 = arith.addf %mul3A_133, %get3A_138 : vector<16xf32>
        %add3A_140 = arith.constant 1 : i32
        %add3A_141 = arith.addi %mul3A_66, %add3A_140 : i32
        %add3A_142 = arith.constant 1 : i32
        %add3A_143 = arith.addi %add3A_141, %add3A_142 : i32
        %swap3A_144 = arith.index_cast %add3A_143 : i32 to index
        %swap3A_145 = arith.constant 0 : index
        %swap3A_146 = tpu.vector_load %arg24[%swap3A_144, %swap3A_145] {strides = array<i32>} : memref<896x32xf32, #tpu.memory_space<vmem>>, vector<1x16xf32>,
        %swap3A_147 = vector.shape_cast %swap3A_146 : vector<1x16xf32> to vector<16xf32>
        %swap3A_148 = vector.shape_cast %add3A_139 : vector<16xf32> to vector<1x16xf32>
        tpu.vector_store %arg24[%swap3A_144, %swap3A_145], %swap3A_148 {strides = array<i32>} : memref<896x32xf32, #tpu.memory_space<vmem>>, vector<1x16xf32>,
        %get3A_149 = arith.constant 1 : i32
        %get3A_150 = arith.index_cast %get3A_149 : i32 to index
        %get3A_151 = arith.constant 16 : index
        %get3A_152 = tpu.vector_load %arg20[%get3A_150, %get3A_151] {strides = array<i32>} : memref<13x32xf32, #tpu.memory_space<vmem>>, vector<1x16xf32>,
        %get3A_153 = vector.shape_cast %get3A_152 : vector<1x16xf32> to vector<16xf32>
        %mul3A_154 = vector.broadcast %squeeze3A_126 : f32 to vector<16xf32>
        %mul3A_155 = arith.mulf %mul3A_154, %get3A_153 : vector<16xf32>
        %get3A_156 = arith.constant 1 : i32
        %get3A_157 = arith.index_cast %get3A_156 : i32 to index
        %get3A_158 = arith.constant 16 : index
        %get3A_159 = tpu.vector_load %arg21[%get3A_157, %get3A_158] {strides = array<i32>} : memref<13x32xf32, #tpu.memory_space<vmem>>, vector<1x16xf32>,
        %get3A_160 = vector.shape_cast %get3A_159 : vector<1x16xf32> to vector<16xf32>
        %add3A_161 = arith.addf %mul3A_155, %get3A_160 : vector<16xf32>
        %add3A_162 = arith.constant 1 : i32
        %add3A_163 = arith.addi %mul3A_66, %add3A_162 : i32
        %add3A_164 = arith.constant 1 : i32
        %add3A_165 = arith.addi %add3A_163, %add3A_164 : i32
        %swap3A_166 = arith.index_cast %add3A_165 : i32 to index
        %swap3A_167 = arith.constant 16 : index
        %swap3A_168 = tpu.vector_load %arg24[%swap3A_166, %swap3A_167] {strides = array<i32>} : memref<896x32xf32, #tpu.memory_space<vmem>>, vector<1x16xf32>,
        %swap3A_169 = vector.shape_cast %swap3A_168 : vector<1x16xf32> to vector<16xf32>
        %swap3A_170 = vector.shape_cast %add3A_161 : vector<16xf32> to vector<1x16xf32>
        tpu.vector_store %arg24[%swap3A_166, %swap3A_167], %swap3A_170 {strides = array<i32>} : memref<896x32xf32, #tpu.memory_space<vmem>>, vector<1x16xf32>,
        %slice3A_171 = vector.extract_strided_slice %get3A_80 {offsets = [2], sizes = [1], strides = [1]} : vector<16xf32> to vector<1xf32>
        %squeeze3A_172 = vector.extract %slice3A_171[0] : f32 from vector<1xf32>
        %get3A_173 = arith.constant 2 : i32
        %get3A_174 = arith.index_cast %get3A_173 : i32 to index
        %get3A_175 = arith.constant 0 : index
        %get3A_176 = tpu.vector_load %arg20[%get3A_174, %get3A_175] {strides = array<i32>} : memref<13x32xf32, #tpu.memory_space<vmem>>, vector<1x16xf32>,
        %get3A_177 = vector.shape_cast %get3A_176 : vector<1x16xf32> to vector<16xf32>
        %mul3A_178 = vector.broadcast %squeeze3A_172 : f32 to vector<16xf32>
        %mul3A_179 = arith.mulf %mul3A_178, %get3A_177 : vector<16xf32>
        %get3A_180 = arith.constant 2 : i32
        %get3A_181 = arith.index_cast %get3A_180 : i32 to index
        %get3A_182 = arith.constant 0 : index
        %get3A_183 = tpu.vector_load %arg21[%get3A_181, %get3A_182] {strides = array<i32>} : memref<13x32xf32, #tpu.memory_space<vmem>>, vector<1x16xf32>,
        %get3A_184 = vector.shape_cast %get3A_183 : vector<1x16xf32> to vector<16xf32>
        %add3A_185 = arith.addf %mul3A_179, %get3A_184 : vector<16xf32>
        %add3A_186 = arith.constant 1 : i32
        %add3A_187 = arith.addi %mul3A_66, %add3A_186 : i32
        %add3A_188 = arith.constant 2 : i32
        %add3A_189 = arith.addi %add3A_187, %add3A_188 : i32
        %swap3A_190 = arith.index_cast %add3A_189 : i32 to index
        %swap3A_191 = arith.constant 0 : index
        %swap3A_192 = tpu.vector_load %arg24[%swap3A_190, %swap3A_191] {strides = array<i32>} : memref<896x32xf32, #tpu.memory_space<vmem>>, vector<1x16xf32>,
        %swap3A_193 = vector.shape_cast %swap3A_192 : vector<1x16xf32> to vector<16xf32>
        %swap3A_194 = vector.shape_cast %add3A_185 : vector<16xf32> to vector<1x16xf32>
        tpu.vector_store %arg24[%swap3A_190, %swap3A_191], %swap3A_194 {strides = array<i32>} : memref<896x32xf32, #tpu.memory_space<vmem>>, vector<1x16xf32>,
        %get3A_195 = arith.constant 2 : i32
        %get3A_196 = arith.index_cast %get3A_195 : i32 to index
        %get3A_197 = arith.constant 16 : index
        %get3A_198 = tpu.vector_load %arg20[%get3A_196, %get3A_197] {strides = array<i32>} : memref<13x32xf32, #tpu.memory_space<vmem>>, vector<1x16xf32>,
        %get3A_199 = vector.shape_cast %get3A_198 : vector<1x16xf32> to vector<16xf32>
        %mul3A_200 = vector.broadcast %squeeze3A_172 : f32 to vector<16xf32>
        %mul3A_201 = arith.mulf %mul3A_200, %get3A_199 : vector<16xf32>
        %get3A_202 = arith.constant 2 : i32
        %get3A_203 = arith.index_cast %get3A_202 : i32 to index
        %get3A_204 = arith.constant 16 : index
        %get3A_205 = tpu.vector_load %arg21[%get3A_203, %get3A_204] {strides = array<i32>} : memref<13x32xf32, #tpu.memory_space<vmem>>, vector<1x16xf32>,
        %get3A_206 = vector.shape_cast %get3A_205 : vector<1x16xf32> to vector<16xf32>
        %add3A_207 = arith.addf %mul3A_201, %get3A_206 : vector<16xf32>
        %add3A_208 = arith.constant 1 : i32
        %add3A_209 = arith.addi %mul3A_66, %add3A_208 : i32
        %add3A_210 = arith.constant 2 : i32
        %add3A_211 = arith.addi %add3A_209, %add3A_210 : i32
        %swap3A_212 = arith.index_cast %add3A_211 : i32 to index
        %swap3A_213 = arith.constant 16 : index
        %swap3A_214 = tpu.vector_load %arg24[%swap3A_212, %swap3A_213] {strides = array<i32>} : memref<896x32xf32, #tpu.memory_space<vmem>>, vector<1x16xf32>,
        %swap3A_215 = vector.shape_cast %swap3A_214 : vector<1x16xf32> to vector<16xf32>
        %swap3A_216 = vector.shape_cast %add3A_207 : vector<16xf32> to vector<1x16xf32>
        tpu.vector_store %arg24[%swap3A_212, %swap3A_213], %swap3A_216 {strides = array<i32>} : memref<896x32xf32, #tpu.memory_space<vmem>>, vector<1x16xf32>,
        %slice3A_217 = vector.extract_strided_slice %get3A_80 {offsets = [3], sizes = [1], strides = [1]} : vector<16xf32> to vector<1xf32>
        %squeeze3A_218 = vector.extract %slice3A_217[0] : f32 from vector<1xf32>
        %get3A_219 = arith.constant 3 : i32
        %get3A_220 = arith.index_cast %get3A_219 : i32 to index
        %get3A_221 = arith.constant 0 : index
        %get3A_222 = tpu.vector_load %arg20[%get3A_220, %get3A_221] {strides = array<i32>} : memref<13x32xf32, #tpu.memory_space<vmem>>, vector<1x16xf32>,
        %get3A_223 = vector.shape_cast %get3A_222 : vector<1x16xf32> to vector<16xf32>
        %mul3A_224 = vector.broadcast %squeeze3A_218 : f32 to vector<16xf32>
        %mul3A_225 = arith.mulf %mul3A_224, %get3A_223 : vector<16xf32>
        %get3A_226 = arith.constant 3 : i32
        %get3A_227 = arith.index_cast %get3A_226 : i32 to index
        %get3A_228 = arith.constant 0 : index
        %get3A_229 = tpu.vector_load %arg21[%get3A_227, %get3A_228] {strides = array<i32>} : memref<13x32xf32, #tpu.memory_space<vmem>>, vector<1x16xf32>,
        %get3A_230 = vector.shape_cast %get3A_229 : vector<1x16xf32> to vector<16xf32>
        %add3A_231 = arith.addf %mul3A_225, %get3A_230 : vector<16xf32>
        %add3A_232 = arith.constant 1 : i32
        %add3A_233 = arith.addi %mul3A_66, %add3A_232 : i32
        %add3A_234 = arith.constant 3 : i32
        %add3A_235 = arith.addi %add3A_233, %add3A_234 : i32
        %swap3A_236 = arith.index_cast %add3A_235 : i32 to index
        %swap3A_237 = arith.constant 0 : index
        %swap3A_238 = tpu.vector_load %arg24[%swap3A_236, %swap3A_237] {strides = array<i32>} : memref<896x32xf32, #tpu.memory_space<vmem>>, vector<1x16xf32>,
        %swap3A_239 = vector.shape_cast %swap3A_238 : vector<1x16xf32> to vector<16xf32>
        %swap3A_240 = vector.shape_cast %add3A_231 : vector<16xf32> to vector<1x16xf32>
        tpu.vector_store %arg24[%swap3A_236, %swap3A_237], %swap3A_240 {strides = array<i32>} : memref<896x32xf32, #tpu.memory_space<vmem>>, vector<1x16xf32>,
        %get3A_241 = arith.constant 3 : i32
        %get3A_242 = arith.index_cast %get3A_241 : i32 to index
        %get3A_243 = arith.constant 16 : index
        %get3A_244 = tpu.vector_load %arg20[%get3A_242, %get3A_243] {strides = array<i32>} : memref<13x32xf32, #tpu.memory_space<vmem>>, vector<1x16xf32>,
        %get3A_245 = vector.shape_cast %get3A_244 : vector<1x16xf32> to vector<16xf32>
        %mul3A_246 = vector.broadcast %squeeze3A_218 : f32 to vector<16xf32>
        %mul3A_247 = arith.mulf %mul3A_246, %get3A_245 : vector<16xf32>
        %get3A_248 = arith.constant 3 : i32
        %get3A_249 = arith.index_cast %get3A_248 : i32 to index
        %get3A_250 = arith.constant 16 : index
        %get3A_251 = tpu.vector_load %arg21[%get3A_249, %get3A_250] {strides = array<i32>} : memref<13x32xf32, #tpu.memory_space<vmem>>, vector<1x16xf32>,
        %get3A_252 = vector.shape_cast %get3A_251 : vector<1x16xf32> to vector<16xf32>
        %add3A_253 = arith.addf %mul3A_247, %get3A_252 : vector<16xf32>
        %add3A_254 = arith.constant 1 : i32
        %add3A_255 = arith.addi %mul3A_66, %add3A_254 : i32
        %add3A_256 = arith.constant 3 : i32
        %add3A_257 = arith.addi %add3A_255, %add3A_256 : i32
        %swap3A_258 = arith.index_cast %add3A_257 : i32 to index
        %swap3A_259 = arith.constant 16 : index
        %swap3A_260 = tpu.vector_load %arg24[%swap3A_258, %swap3A_259] {strides = array<i32>} : memref<896x32xf32, #tpu.memory_space<vmem>>, vector<1x16xf32>,
        %swap3A_261 = vector.shape_cast %swap3A_260 : vector<1x16xf32> to vector<16xf32>
        %swap3A_262 = vector.shape_cast %add3A_253 : vector<16xf32> to vector<1x16xf32>
        tpu.vector_store %arg24[%swap3A_258, %swap3A_259], %swap3A_262 {strides = array<i32>} : memref<896x32xf32, #tpu.memory_space<vmem>>, vector<1x16xf32>,
        %slice3A_263 = vector.extract_strided_slice %get3A_80 {offsets = [4], sizes = [1], strides = [1]} : vector<16xf32> to vector<1xf32>
        %squeeze3A_264 = vector.extract %slice3A_263[0] : f32 from vector<1xf32>
        %get3A_265 = arith.constant 4 : i32
        %get3A_266 = arith.index_cast %get3A_265 : i32 to index
        %get3A_267 = arith.constant 0 : index
        %get3A_268 = tpu.vector_load %arg20[%get3A_266, %get3A_267] {strides = array<i32>} : memref<13x32xf32, #tpu.memory_space<vmem>>, vector<1x16xf32>,
        %get3A_269 = vector.shape_cast %get3A_268 : vector<1x16xf32> to vector<16xf32>
        %mul3A_270 = vector.broadcast %squeeze3A_264 : f32 to vector<16xf32>
        %mul3A_271 = arith.mulf %mul3A_270, %get3A_269 : vector<16xf32>
        %get3A_272 = arith.constant 4 : i32
        %get3A_273 = arith.index_cast %get3A_272 : i32 to index
        %get3A_274 = arith.constant 0 : index
        %get3A_275 = tpu.vector_load %arg21[%get3A_273, %get3A_274] {strides = array<i32>} : memref<13x32xf32, #tpu.memory_space<vmem>>, vector<1x16xf32>,
        %get3A_276 = vector.shape_cast %get3A_275 : vector<1x16xf32> to vector<16xf32>
        %add3A_277 = arith.addf %mul3A_271, %get3A_276 : vector<16xf32>
        %add3A_278 = arith.constant 1 : i32
        %add3A_279 = arith.addi %mul3A_66, %add3A_278 : i32
        %add3A_280 = arith.constant 4 : i32
        %add3A_281 = arith.addi %add3A_279, %add3A_280 : i32
        %swap3A_282 = arith.index_cast %add3A_281 : i32 to index
        %swap3A_283 = arith.constant 0 : index
        %swap3A_284 = tpu.vector_load %arg24[%swap3A_282, %swap3A_283] {strides = array<i32>} : memref<896x32xf32, #tpu.memory_space<vmem>>, vector<1x16xf32>,
        %swap3A_285 = vector.shape_cast %swap3A_284 : vector<1x16xf32> to vector<16xf32>
        %swap3A_286 = vector.shape_cast %add3A_277 : vector<16xf32> to vector<1x16xf32>
        tpu.vector_store %arg24[%swap3A_282, %swap3A_283], %swap3A_286 {strides = array<i32>} : memref<896x32xf32, #tpu.memory_space<vmem>>, vector<1x16xf32>,
        %get3A_287 = arith.constant 4 : i32
        %get3A_288 = arith.index_cast %get3A_287 : i32 to index
        %get3A_289 = arith.constant 16 : index
        %get3A_290 = tpu.vector_load %arg20[%get3A_288, %get3A_289] {strides = array<i32>} : memref<13x32xf32, #tpu.memory_space<vmem>>, vector<1x16xf32>,
        %get3A_291 = vector.shape_cast %get3A_290 : vector<1x16xf32> to vector<16xf32>
        %mul3A_292 = vector.broadcast %squeeze3A_264 : f32 to vector<16xf32>
        %mul3A_293 = arith.mulf %mul3A_292, %get3A_291 : vector<16xf32>
        %get3A_294 = arith.constant 4 : i32
        %get3A_295 = arith.index_cast %get3A_294 : i32 to index
        %get3A_296 = arith.constant 16 : index
        %get3A_297 = tpu.vector_load %arg21[%get3A_295, %get3A_296] {strides = array<i32>} : memref<13x32xf32, #tpu.memory_space<vmem>>, vector<1x16xf32>,
        %get3A_298 = vector.shape_cast %get3A_297 : vector<1x16xf32> to vector<16xf32>
        %add3A_299 = arith.addf %mul3A_293, %get3A_298 : vector<16xf32>
        %add3A_300 = arith.constant 1 : i32
        %add3A_301 = arith.addi %mul3A_66, %add3A_300 : i32
        %add3A_302 = arith.constant 4 : i32
        %add3A_303 = arith.addi %add3A_301, %add3A_302 : i32
        %swap3A_304 = arith.index_cast %add3A_303 : i32 to index
        %swap3A_305 = arith.constant 16 : index
        %swap3A_306 = tpu.vector_load %arg24[%swap3A_304, %swap3A_305] {strides = array<i32>} : memref<896x32xf32, #tpu.memory_space<vmem>>, vector<1x16xf32>,
        %swap3A_307 = vector.shape_cast %swap3A_306 : vector<1x16xf32> to vector<16xf32>
        %swap3A_308 = vector.shape_cast %add3A_299 : vector<16xf32> to vector<1x16xf32>
        tpu.vector_store %arg24[%swap3A_304, %swap3A_305], %swap3A_308 {strides = array<i32>} : memref<896x32xf32, #tpu.memory_space<vmem>>, vector<1x16xf32>,
        %slice3A_309 = vector.extract_strided_slice %get3A_80 {offsets = [5], sizes = [1], strides = [1]} : vector<16xf32> to vector<1xf32>
        %squeeze3A_310 = vector.extract %slice3A_309[0] : f32 from vector<1xf32>
        %get3A_311 = arith.constant 5 : i32
        %get3A_312 = arith.index_cast %get3A_311 : i32 to index
        %get3A_313 = arith.constant 0 : index
        %get3A_314 = tpu.vector_load %arg20[%get3A_312, %get3A_313] {strides = array<i32>} : memref<13x32xf32, #tpu.memory_space<vmem>>, vector<1x16xf32>,
        %get3A_315 = vector.shape_cast %get3A_314 : vector<1x16xf32> to vector<16xf32>
        %mul3A_316 = vector.broadcast %squeeze3A_310 : f32 to vector<16xf32>
        %mul3A_317 = arith.mulf %mul3A_316, %get3A_315 : vector<16xf32>
        %get3A_318 = arith.constant 5 : i32
        %get3A_319 = arith.index_cast %get3A_318 : i32 to index
        %get3A_320 = arith.constant 0 : index
        %get3A_321 = tpu.vector_load %arg21[%get3A_319, %get3A_320] {strides = array<i32>} : memref<13x32xf32, #tpu.memory_space<vmem>>, vector<1x16xf32>,
        %get3A_322 = vector.shape_cast %get3A_321 : vector<1x16xf32> to vector<16xf32>
        %add3A_323 = arith.addf %mul3A_317, %get3A_322 : vector<16xf32>
        %add3A_324 = arith.constant 1 : i32
        %add3A_325 = arith.addi %mul3A_66, %add3A_324 : i32
        %add3A_326 = arith.constant 5 : i32
        %add3A_327 = arith.addi %add3A_325, %add3A_326 : i32
        %swap3A_328 = arith.index_cast %add3A_327 : i32 to index
        %swap3A_329 = arith.constant 0 : index
        %swap3A_330 = tpu.vector_load %arg24[%swap3A_328, %swap3A_329] {strides = array<i32>} : memref<896x32xf32, #tpu.memory_space<vmem>>, vector<1x16xf32>,
        %swap3A_331 = vector.shape_cast %swap3A_330 : vector<1x16xf32> to vector<16xf32>
        %swap3A_332 = vector.shape_cast %add3A_323 : vector<16xf32> to vector<1x16xf32>
        tpu.vector_store %arg24[%swap3A_328, %swap3A_329], %swap3A_332 {strides = array<i32>} : memref<896x32xf32, #tpu.memory_space<vmem>>, vector<1x16xf32>,
        %get3A_333 = arith.constant 5 : i32
        %get3A_334 = arith.index_cast %get3A_333 : i32 to index
        %get3A_335 = arith.constant 16 : index
        %get3A_336 = tpu.vector_load %arg20[%get3A_334, %get3A_335] {strides = array<i32>} : memref<13x32xf32, #tpu.memory_space<vmem>>, vector<1x16xf32>,
        %get3A_337 = vector.shape_cast %get3A_336 : vector<1x16xf32> to vector<16xf32>
        %mul3A_338 = vector.broadcast %squeeze3A_310 : f32 to vector<16xf32>
        %mul3A_339 = arith.mulf %mul3A_338, %get3A_337 : vector<16xf32>
        %get3A_340 = arith.constant 5 : i32
        %get3A_341 = arith.index_cast %get3A_340 : i32 to index
        %get3A_342 = arith.constant 16 : index
        %get3A_343 = tpu.vector_load %arg21[%get3A_341, %get3A_342] {strides = array<i32>} : memref<13x32xf32, #tpu.memory_space<vmem>>, vector<1x16xf32>,
        %get3A_344 = vector.shape_cast %get3A_343 : vector<1x16xf32> to vector<16xf32>
        %add3A_345 = arith.addf %mul3A_339, %get3A_344 : vector<16xf32>
        %add3A_346 = arith.constant 1 : i32
        %add3A_347 = arith.addi %mul3A_66, %add3A_346 : i32
        %add3A_348 = arith.constant 5 : i32
        %add3A_349 = arith.addi %add3A_347, %add3A_348 : i32
        %swap3A_350 = arith.index_cast %add3A_349 : i32 to index
        %swap3A_351 = arith.constant 16 : index
        %swap3A_352 = tpu.vector_load %arg24[%swap3A_350, %swap3A_351] {strides = array<i32>} : memref<896x32xf32, #tpu.memory_space<vmem>>, vector<1x16xf32>,
        %swap3A_353 = vector.shape_cast %swap3A_352 : vector<1x16xf32> to vector<16xf32>
        %swap3A_354 = vector.shape_cast %add3A_345 : vector<16xf32> to vector<1x16xf32>
        tpu.vector_store %arg24[%swap3A_350, %swap3A_351], %swap3A_354 {strides = array<i32>} : memref<896x32xf32, #tpu.memory_space<vmem>>, vector<1x16xf32>,
        %slice3A_355 = vector.extract_strided_slice %get3A_80 {offsets = [6], sizes = [1], strides = [1]} : vector<16xf32> to vector<1xf32>
        %squeeze3A_356 = vector.extract %slice3A_355[0] : f32 from vector<1xf32>
        %get3A_357 = arith.constant 6 : i32
        %get3A_358 = arith.index_cast %get3A_357 : i32 to index
        %get3A_359 = arith.constant 0 : index
        %get3A_360 = tpu.vector_load %arg20[%get3A_358, %get3A_359] {strides = array<i32>} : memref<13x32xf32, #tpu.memory_space<vmem>>, vector<1x16xf32>,
        %get3A_361 = vector.shape_cast %get3A_360 : vector<1x16xf32> to vector<16xf32>
        %mul3A_362 = vector.broadcast %squeeze3A_356 : f32 to vector<16xf32>
        %mul3A_363 = arith.mulf %mul3A_362, %get3A_361 : vector<16xf32>
        %get3A_364 = arith.constant 6 : i32
        %get3A_365 = arith.index_cast %get3A_364 : i32 to index
        %get3A_366 = arith.constant 0 : index
        %get3A_367 = tpu.vector_load %arg21[%get3A_365, %get3A_366] {strides = array<i32>} : memref<13x32xf32, #tpu.memory_space<vmem>>, vector<1x16xf32>,
        %get3A_368 = vector.shape_cast %get3A_367 : vector<1x16xf32> to vector<16xf32>
        %add3A_369 = arith.addf %mul3A_363, %get3A_368 : vector<16xf32>
        %add3A_370 = arith.constant 1 : i32
        %add3A_371 = arith.addi %mul3A_66, %add3A_370 : i32
        %add3A_372 = arith.constant 6 : i32
        %add3A_373 = arith.addi %add3A_371, %add3A_372 : i32
        %swap3A_374 = arith.index_cast %add3A_373 : i32 to index
        %swap3A_375 = arith.constant 0 : index
        %swap3A_376 = tpu.vector_load %arg24[%swap3A_374, %swap3A_375] {strides = array<i32>} : memref<896x32xf32, #tpu.memory_space<vmem>>, vector<1x16xf32>,
        %swap3A_377 = vector.shape_cast %swap3A_376 : vector<1x16xf32> to vector<16xf32>
        %swap3A_378 = vector.shape_cast %add3A_369 : vector<16xf32> to vector<1x16xf32>
        tpu.vector_store %arg24[%swap3A_374, %swap3A_375], %swap3A_378 {strides = array<i32>} : memref<896x32xf32, #tpu.memory_space<vmem>>, vector<1x16xf32>,
        %get3A_379 = arith.constant 6 : i32
        %get3A_380 = arith.index_cast %get3A_379 : i32 to index
        %get3A_381 = arith.constant 16 : index
        %get3A_382 = tpu.vector_load %arg20[%get3A_380, %get3A_381] {strides = array<i32>} : memref<13x32xf32, #tpu.memory_space<vmem>>, vector<1x16xf32>,
        %get3A_383 = vector.shape_cast %get3A_382 : vector<1x16xf32> to vector<16xf32>
        %mul3A_384 = vector.broadcast %squeeze3A_356 : f32 to vector<16xf32>
        %mul3A_385 = arith.mulf %mul3A_384, %get3A_383 : vector<16xf32>
        %get3A_386 = arith.constant 6 : i32
        %get3A_387 = arith.index_cast %get3A_386 : i32 to index
        %get3A_388 = arith.constant 16 : index
        %get3A_389 = tpu.vector_load %arg21[%get3A_387, %get3A_388] {strides = array<i32>} : memref<13x32xf32, #tpu.memory_space<vmem>>, vector<1x16xf32>,
        %get3A_390 = vector.shape_cast %get3A_389 : vector<1x16xf32> to vector<16xf32>
        %add3A_391 = arith.addf %mul3A_385, %get3A_390 : vector<16xf32>
        %add3A_392 = arith.constant 1 : i32
        %add3A_393 = arith.addi %mul3A_66, %add3A_392 : i32
        %add3A_394 = arith.constant 6 : i32
        %add3A_395 = arith.addi %add3A_393, %add3A_394 : i32
        %swap3A_396 = arith.index_cast %add3A_395 : i32 to index
        %swap3A_397 = arith.constant 16 : index
        %swap3A_398 = tpu.vector_load %arg24[%swap3A_396, %swap3A_397] {strides = array<i32>} : memref<896x32xf32, #tpu.memory_space<vmem>>, vector<1x16xf32>,
        %swap3A_399 = vector.shape_cast %swap3A_398 : vector<1x16xf32> to vector<16xf32>
        %swap3A_400 = vector.shape_cast %add3A_391 : vector<16xf32> to vector<1x16xf32>
        tpu.vector_store %arg24[%swap3A_396, %swap3A_397], %swap3A_400 {strides = array<i32>} : memref<896x32xf32, #tpu.memory_space<vmem>>, vector<1x16xf32>,
        %slice3A_401 = vector.extract_strided_slice %get3A_80 {offsets = [7], sizes = [1], strides = [1]} : vector<16xf32> to vector<1xf32>
        %squeeze3A_402 = vector.extract %slice3A_401[0] : f32 from vector<1xf32>
        %get3A_403 = arith.constant 7 : i32
        %get3A_404 = arith.index_cast %get3A_403 : i32 to index
        %get3A_405 = arith.constant 0 : index
        %get3A_406 = tpu.vector_load %arg20[%get3A_404, %get3A_405] {strides = array<i32>} : memref<13x32xf32, #tpu.memory_space<vmem>>, vector<1x16xf32>,
        %get3A_407 = vector.shape_cast %get3A_406 : vector<1x16xf32> to vector<16xf32>
        %mul3A_408 = vector.broadcast %squeeze3A_402 : f32 to vector<16xf32>
        %mul3A_409 = arith.mulf %mul3A_408, %get3A_407 : vector<16xf32>
        %get3A_410 = arith.constant 7 : i32
        %get3A_411 = arith.index_cast %get3A_410 : i32 to index
        %get3A_412 = arith.constant 0 : index
        %get3A_413 = tpu.vector_load %arg21[%get3A_411, %get3A_412] {strides = array<i32>} : memref<13x32xf32, #tpu.memory_space<vmem>>, vector<1x16xf32>,
        %get3A_414 = vector.shape_cast %get3A_413 : vector<1x16xf32> to vector<16xf32>
        %add3A_415 = arith.addf %mul3A_409, %get3A_414 : vector<16xf32>
        %add3A_416 = arith.constant 1 : i32
        %add3A_417 = arith.addi %mul3A_66, %add3A_416 : i32
        %add3A_418 = arith.constant 7 : i32
        %add3A_419 = arith.addi %add3A_417, %add3A_418 : i32
        %swap3A_420 = arith.index_cast %add3A_419 : i32 to index
        %swap3A_421 = arith.constant 0 : index
        %swap3A_422 = tpu.vector_load %arg24[%swap3A_420, %swap3A_421] {strides = array<i32>} : memref<896x32xf32, #tpu.memory_space<vmem>>, vector<1x16xf32>,
        %swap3A_423 = vector.shape_cast %swap3A_422 : vector<1x16xf32> to vector<16xf32>
        %swap3A_424 = vector.shape_cast %add3A_415 : vector<16xf32> to vector<1x16xf32>
        tpu.vector_store %arg24[%swap3A_420, %swap3A_421], %swap3A_424 {strides = array<i32>} : memref<896x32xf32, #tpu.memory_space<vmem>>, vector<1x16xf32>,
        %get3A_425 = arith.constant 7 : i32
        %get3A_426 = arith.index_cast %get3A_425 : i32 to index
        %get3A_427 = arith.constant 16 : index
        %get3A_428 = tpu.vector_load %arg20[%get3A_426, %get3A_427] {strides = array<i32>} : memref<13x32xf32, #tpu.memory_space<vmem>>, vector<1x16xf32>,
        %get3A_429 = vector.shape_cast %get3A_428 : vector<1x16xf32> to vector<16xf32>
        %mul3A_430 = vector.broadcast %squeeze3A_402 : f32 to vector<16xf32>
        %mul3A_431 = arith.mulf %mul3A_430, %get3A_429 : vector<16xf32>
        %get3A_432 = arith.constant 7 : i32
        %get3A_433 = arith.index_cast %get3A_432 : i32 to index
        %get3A_434 = arith.constant 16 : index
        %get3A_435 = tpu.vector_load %arg21[%get3A_433, %get3A_434] {strides = array<i32>} : memref<13x32xf32, #tpu.memory_space<vmem>>, vector<1x16xf32>,
        %get3A_436 = vector.shape_cast %get3A_435 : vector<1x16xf32> to vector<16xf32>
        %add3A_437 = arith.addf %mul3A_431, %get3A_436 : vector<16xf32>
        %add3A_438 = arith.constant 1 : i32
        %add3A_439 = arith.addi %mul3A_66, %add3A_438 : i32
        %add3A_440 = arith.constant 7 : i32
        %add3A_441 = arith.addi %add3A_439, %add3A_440 : i32
        %swap3A_442 = arith.index_cast %add3A_441 : i32 to index
        %swap3A_443 = arith.constant 16 : index
        %swap3A_444 = tpu.vector_load %arg24[%swap3A_442, %swap3A_443] {strides = array<i32>} : memref<896x32xf32, #tpu.memory_space<vmem>>, vector<1x16xf32>,
        %swap3A_445 = vector.shape_cast %swap3A_444 : vector<1x16xf32> to vector<16xf32>
        %swap3A_446 = vector.shape_cast %add3A_437 : vector<16xf32> to vector<1x16xf32>
        tpu.vector_store %arg24[%swap3A_442, %swap3A_443], %swap3A_446 {strides = array<i32>} : memref<896x32xf32, #tpu.memory_space<vmem>>, vector<1x16xf32>,
        %slice3A_447 = vector.extract_strided_slice %get3A_80 {offsets = [8], sizes = [1], strides = [1]} : vector<16xf32> to vector<1xf32>
        %squeeze3A_448 = vector.extract %slice3A_447[0] : f32 from vector<1xf32>
        %get3A_449 = arith.constant 8 : i32
        %get3A_450 = arith.index_cast %get3A_449 : i32 to index
        %get3A_451 = arith.constant 0 : index
        %get3A_452 = tpu.vector_load %arg20[%get3A_450, %get3A_451] {strides = array<i32>} : memref<13x32xf32, #tpu.memory_space<vmem>>, vector<1x16xf32>,
        %get3A_453 = vector.shape_cast %get3A_452 : vector<1x16xf32> to vector<16xf32>
        %mul3A_454 = vector.broadcast %squeeze3A_448 : f32 to vector<16xf32>
        %mul3A_455 = arith.mulf %mul3A_454, %get3A_453 : vector<16xf32>
        %get3A_456 = arith.constant 8 : i32
        %get3A_457 = arith.index_cast %get3A_456 : i32 to index
        %get3A_458 = arith.constant 0 : index
        %get3A_459 = tpu.vector_load %arg21[%get3A_457, %get3A_458] {strides = array<i32>} : memref<13x32xf32, #tpu.memory_space<vmem>>, vector<1x16xf32>,
        %get3A_460 = vector.shape_cast %get3A_459 : vector<1x16xf32> to vector<16xf32>
        %add3A_461 = arith.addf %mul3A_455, %get3A_460 : vector<16xf32>
        %add3A_462 = arith.constant 1 : i32
        %add3A_463 = arith.addi %mul3A_66, %add3A_462 : i32
        %add3A_464 = arith.constant 8 : i32
        %add3A_465 = arith.addi %add3A_463, %add3A_464 : i32
        %swap3A_466 = arith.index_cast %add3A_465 : i32 to index
        %swap3A_467 = arith.constant 0 : index
        %swap3A_468 = tpu.vector_load %arg24[%swap3A_466, %swap3A_467] {strides = array<i32>} : memref<896x32xf32, #tpu.memory_space<vmem>>, vector<1x16xf32>,
        %swap3A_469 = vector.shape_cast %swap3A_468 : vector<1x16xf32> to vector<16xf32>
        %swap3A_470 = vector.shape_cast %add3A_461 : vector<16xf32> to vector<1x16xf32>
        tpu.vector_store %arg24[%swap3A_466, %swap3A_467], %swap3A_470 {strides = array<i32>} : memref<896x32xf32, #tpu.memory_space<vmem>>, vector<1x16xf32>,
        %get3A_471 = arith.constant 8 : i32
        %get3A_472 = arith.index_cast %get3A_471 : i32 to index
        %get3A_473 = arith.constant 16 : index
        %get3A_474 = tpu.vector_load %arg20[%get3A_472, %get3A_473] {strides = array<i32>} : memref<13x32xf32, #tpu.memory_space<vmem>>, vector<1x16xf32>,
        %get3A_475 = vector.shape_cast %get3A_474 : vector<1x16xf32> to vector<16xf32>
        %mul3A_476 = vector.broadcast %squeeze3A_448 : f32 to vector<16xf32>
        %mul3A_477 = arith.mulf %mul3A_476, %get3A_475 : vector<16xf32>
        %get3A_478 = arith.constant 8 : i32
        %get3A_479 = arith.index_cast %get3A_478 : i32 to index
        %get3A_480 = arith.constant 16 : index
        %get3A_481 = tpu.vector_load %arg21[%get3A_479, %get3A_480] {strides = array<i32>} : memref<13x32xf32, #tpu.memory_space<vmem>>, vector<1x16xf32>,
        %get3A_482 = vector.shape_cast %get3A_481 : vector<1x16xf32> to vector<16xf32>
        %add3A_483 = arith.addf %mul3A_477, %get3A_482 : vector<16xf32>
        %add3A_484 = arith.constant 1 : i32
        %add3A_485 = arith.addi %mul3A_66, %add3A_484 : i32
        %add3A_486 = arith.constant 8 : i32
        %add3A_487 = arith.addi %add3A_485, %add3A_486 : i32
        %swap3A_488 = arith.index_cast %add3A_487 : i32 to index
        %swap3A_489 = arith.constant 16 : index
        %swap3A_490 = tpu.vector_load %arg24[%swap3A_488, %swap3A_489] {strides = array<i32>} : memref<896x32xf32, #tpu.memory_space<vmem>>, vector<1x16xf32>,
        %swap3A_491 = vector.shape_cast %swap3A_490 : vector<1x16xf32> to vector<16xf32>
        %swap3A_492 = vector.shape_cast %add3A_483 : vector<16xf32> to vector<1x16xf32>
        tpu.vector_store %arg24[%swap3A_488, %swap3A_489], %swap3A_492 {strides = array<i32>} : memref<896x32xf32, #tpu.memory_space<vmem>>, vector<1x16xf32>,
        %slice3A_493 = vector.extract_strided_slice %get3A_80 {offsets = [9], sizes = [1], strides = [1]} : vector<16xf32> to vector<1xf32>
        %squeeze3A_494 = vector.extract %slice3A_493[0] : f32 from vector<1xf32>
        %get3A_495 = arith.constant 9 : i32
        %get3A_496 = arith.index_cast %get3A_495 : i32 to index
        %get3A_497 = arith.constant 0 : index
        %get3A_498 = tpu.vector_load %arg20[%get3A_496, %get3A_497] {strides = array<i32>} : memref<13x32xf32, #tpu.memory_space<vmem>>, vector<1x16xf32>,
        %get3A_499 = vector.shape_cast %get3A_498 : vector<1x16xf32> to vector<16xf32>
        %mul3A_500 = vector.broadcast %squeeze3A_494 : f32 to vector<16xf32>
        %mul3A_501 = arith.mulf %mul3A_500, %get3A_499 : vector<16xf32>
        %get3A_502 = arith.constant 9 : i32
        %get3A_503 = arith.index_cast %get3A_502 : i32 to index
        %get3A_504 = arith.constant 0 : index
        %get3A_505 = tpu.vector_load %arg21[%get3A_503, %get3A_504] {strides = array<i32>} : memref<13x32xf32, #tpu.memory_space<vmem>>, vector<1x16xf32>,
        %get3A_506 = vector.shape_cast %get3A_505 : vector<1x16xf32> to vector<16xf32>
        %add3A_507 = arith.addf %mul3A_501, %get3A_506 : vector<16xf32>
        %add3A_508 = arith.constant 1 : i32
        %add3A_509 = arith.addi %mul3A_66, %add3A_508 : i32
        %add3A_510 = arith.constant 9 : i32
        %add3A_511 = arith.addi %add3A_509, %add3A_510 : i32
        %swap3A_512 = arith.index_cast %add3A_511 : i32 to index
        %swap3A_513 = arith.constant 0 : index
        %swap3A_514 = tpu.vector_load %arg24[%swap3A_512, %swap3A_513] {strides = array<i32>} : memref<896x32xf32, #tpu.memory_space<vmem>>, vector<1x16xf32>,
        %swap3A_515 = vector.shape_cast %swap3A_514 : vector<1x16xf32> to vector<16xf32>
        %swap3A_516 = vector.shape_cast %add3A_507 : vector<16xf32> to vector<1x16xf32>
        tpu.vector_store %arg24[%swap3A_512, %swap3A_513], %swap3A_516 {strides = array<i32>} : memref<896x32xf32, #tpu.memory_space<vmem>>, vector<1x16xf32>,
        %get3A_517 = arith.constant 9 : i32
        %get3A_518 = arith.index_cast %get3A_517 : i32 to index
        %get3A_519 = arith.constant 16 : index
        %get3A_520 = tpu.vector_load %arg20[%get3A_518, %get3A_519] {strides = array<i32>} : memref<13x32xf32, #tpu.memory_space<vmem>>, vector<1x16xf32>,
        %get3A_521 = vector.shape_cast %get3A_520 : vector<1x16xf32> to vector<16xf32>
        %mul3A_522 = vector.broadcast %squeeze3A_494 : f32 to vector<16xf32>
        %mul3A_523 = arith.mulf %mul3A_522, %get3A_521 : vector<16xf32>
        %get3A_524 = arith.constant 9 : i32
        %get3A_525 = arith.index_cast %get3A_524 : i32 to index
        %get3A_526 = arith.constant 16 : index
        %get3A_527 = tpu.vector_load %arg21[%get3A_525, %get3A_526] {strides = array<i32>} : memref<13x32xf32, #tpu.memory_space<vmem>>, vector<1x16xf32>,
        %get3A_528 = vector.shape_cast %get3A_527 : vector<1x16xf32> to vector<16xf32>
        %add3A_529 = arith.addf %mul3A_523, %get3A_528 : vector<16xf32>
        %add3A_530 = arith.constant 1 : i32
        %add3A_531 = arith.addi %mul3A_66, %add3A_530 : i32
        %add3A_532 = arith.constant 9 : i32
        %add3A_533 = arith.addi %add3A_531, %add3A_532 : i32
        %swap3A_534 = arith.index_cast %add3A_533 : i32 to index
        %swap3A_535 = arith.constant 16 : index
        %swap3A_536 = tpu.vector_load %arg24[%swap3A_534, %swap3A_535] {strides = array<i32>} : memref<896x32xf32, #tpu.memory_space<vmem>>, vector<1x16xf32>,
        %swap3A_537 = vector.shape_cast %swap3A_536 : vector<1x16xf32> to vector<16xf32>
        %swap3A_538 = vector.shape_cast %add3A_529 : vector<16xf32> to vector<1x16xf32>
        tpu.vector_store %arg24[%swap3A_534, %swap3A_535], %swap3A_538 {strides = array<i32>} : memref<896x32xf32, #tpu.memory_space<vmem>>, vector<1x16xf32>,
        %slice3A_539 = vector.extract_strided_slice %get3A_80 {offsets = [10], sizes = [1], strides = [1]} : vector<16xf32> to vector<1xf32>
        %squeeze3A_540 = vector.extract %slice3A_539[0] : f32 from vector<1xf32>
        %get3A_541 = arith.constant 10 : i32
        %get3A_542 = arith.index_cast %get3A_541 : i32 to index
        %get3A_543 = arith.constant 0 : index
        %get3A_544 = tpu.vector_load %arg20[%get3A_542, %get3A_543] {strides = array<i32>} : memref<13x32xf32, #tpu.memory_space<vmem>>, vector<1x16xf32>,
        %get3A_545 = vector.shape_cast %get3A_544 : vector<1x16xf32> to vector<16xf32>
        %mul3A_546 = vector.broadcast %squeeze3A_540 : f32 to vector<16xf32>
        %mul3A_547 = arith.mulf %mul3A_546, %get3A_545 : vector<16xf32>
        %get3A_548 = arith.constant 10 : i32
        %get3A_549 = arith.index_cast %get3A_548 : i32 to index
        %get3A_550 = arith.constant 0 : index
        %get3A_551 = tpu.vector_load %arg21[%get3A_549, %get3A_550] {strides = array<i32>} : memref<13x32xf32, #tpu.memory_space<vmem>>, vector<1x16xf32>,
        %get3A_552 = vector.shape_cast %get3A_551 : vector<1x16xf32> to vector<16xf32>
        %add3A_553 = arith.addf %mul3A_547, %get3A_552 : vector<16xf32>
        %add3A_554 = arith.constant 1 : i32
        %add3A_555 = arith.addi %mul3A_66, %add3A_554 : i32
        %add3A_556 = arith.constant 10 : i32
        %add3A_557 = arith.addi %add3A_555, %add3A_556 : i32
        %swap3A_558 = arith.index_cast %add3A_557 : i32 to index
        %swap3A_559 = arith.constant 0 : index
        %swap3A_560 = tpu.vector_load %arg24[%swap3A_558, %swap3A_559] {strides = array<i32>} : memref<896x32xf32, #tpu.memory_space<vmem>>, vector<1x16xf32>,
        %swap3A_561 = vector.shape_cast %swap3A_560 : vector<1x16xf32> to vector<16xf32>
        %swap3A_562 = vector.shape_cast %add3A_553 : vector<16xf32> to vector<1x16xf32>
        tpu.vector_store %arg24[%swap3A_558, %swap3A_559], %swap3A_562 {strides = array<i32>} : memref<896x32xf32, #tpu.memory_space<vmem>>, vector<1x16xf32>,
        %get3A_563 = arith.constant 10 : i32
        %get3A_564 = arith.index_cast %get3A_563 : i32 to index
        %get3A_565 = arith.constant 16 : index
        %get3A_566 = tpu.vector_load %arg20[%get3A_564, %get3A_565] {strides = array<i32>} : memref<13x32xf32, #tpu.memory_space<vmem>>, vector<1x16xf32>,
        %get3A_567 = vector.shape_cast %get3A_566 : vector<1x16xf32> to vector<16xf32>
        %mul3A_568 = vector.broadcast %squeeze3A_540 : f32 to vector<16xf32>
        %mul3A_569 = arith.mulf %mul3A_568, %get3A_567 : vector<16xf32>
        %get3A_570 = arith.constant 10 : i32
        %get3A_571 = arith.index_cast %get3A_570 : i32 to index
        %get3A_572 = arith.constant 16 : index
        %get3A_573 = tpu.vector_load %arg21[%get3A_571, %get3A_572] {strides = array<i32>} : memref<13x32xf32, #tpu.memory_space<vmem>>, vector<1x16xf32>,
        %get3A_574 = vector.shape_cast %get3A_573 : vector<1x16xf32> to vector<16xf32>
        %add3A_575 = arith.addf %mul3A_569, %get3A_574 : vector<16xf32>
        %add3A_576 = arith.constant 1 : i32
        %add3A_577 = arith.addi %mul3A_66, %add3A_576 : i32
        %add3A_578 = arith.constant 10 : i32
        %add3A_579 = arith.addi %add3A_577, %add3A_578 : i32
        %swap3A_580 = arith.index_cast %add3A_579 : i32 to index
        %swap3A_581 = arith.constant 16 : index
        %swap3A_582 = tpu.vector_load %arg24[%swap3A_580, %swap3A_581] {strides = array<i32>} : memref<896x32xf32, #tpu.memory_space<vmem>>, vector<1x16xf32>,
        %swap3A_583 = vector.shape_cast %swap3A_582 : vector<1x16xf32> to vector<16xf32>
        %swap3A_584 = vector.shape_cast %add3A_575 : vector<16xf32> to vector<1x16xf32>
        tpu.vector_store %arg24[%swap3A_580, %swap3A_581], %swap3A_584 {strides = array<i32>} : memref<896x32xf32, #tpu.memory_space<vmem>>, vector<1x16xf32>,
        %slice3A_585 = vector.extract_strided_slice %get3A_80 {offsets = [11], sizes = [1], strides = [1]} : vector<16xf32> to vector<1xf32>
        %squeeze3A_586 = vector.extract %slice3A_585[0] : f32 from vector<1xf32>
        %get3A_587 = arith.constant 11 : i32
        %get3A_588 = arith.index_cast %get3A_587 : i32 to index
        %get3A_589 = arith.constant 0 : index
        %get3A_590 = tpu.vector_load %arg20[%get3A_588, %get3A_589] {strides = array<i32>} : memref<13x32xf32, #tpu.memory_space<vmem>>, vector<1x16xf32>,
        %get3A_591 = vector.shape_cast %get3A_590 : vector<1x16xf32> to vector<16xf32>
        %mul3A_592 = vector.broadcast %squeeze3A_586 : f32 to vector<16xf32>
        %mul3A_593 = arith.mulf %mul3A_592, %get3A_591 : vector<16xf32>
        %get3A_594 = arith.constant 11 : i32
        %get3A_595 = arith.index_cast %get3A_594 : i32 to index
        %get3A_596 = arith.constant 0 : index
        %get3A_597 = tpu.vector_load %arg21[%get3A_595, %get3A_596] {strides = array<i32>} : memref<13x32xf32, #tpu.memory_space<vmem>>, vector<1x16xf32>,
        %get3A_598 = vector.shape_cast %get3A_597 : vector<1x16xf32> to vector<16xf32>
        %add3A_599 = arith.addf %mul3A_593, %get3A_598 : vector<16xf32>
        %add3A_600 = arith.constant 1 : i32
        %add3A_601 = arith.addi %mul3A_66, %add3A_600 : i32
        %add3A_602 = arith.constant 11 : i32
        %add3A_603 = arith.addi %add3A_601, %add3A_602 : i32
        %swap3A_604 = arith.index_cast %add3A_603 : i32 to index
        %swap3A_605 = arith.constant 0 : index
        %swap3A_606 = tpu.vector_load %arg24[%swap3A_604, %swap3A_605] {strides = array<i32>} : memref<896x32xf32, #tpu.memory_space<vmem>>, vector<1x16xf32>,
        %swap3A_607 = vector.shape_cast %swap3A_606 : vector<1x16xf32> to vector<16xf32>
        %swap3A_608 = vector.shape_cast %add3A_599 : vector<16xf32> to vector<1x16xf32>
        tpu.vector_store %arg24[%swap3A_604, %swap3A_605], %swap3A_608 {strides = array<i32>} : memref<896x32xf32, #tpu.memory_space<vmem>>, vector<1x16xf32>,
        %get3A_609 = arith.constant 11 : i32
        %get3A_610 = arith.index_cast %get3A_609 : i32 to index
        %get3A_611 = arith.constant 16 : index
        %get3A_612 = tpu.vector_load %arg20[%get3A_610, %get3A_611] {strides = array<i32>} : memref<13x32xf32, #tpu.memory_space<vmem>>, vector<1x16xf32>,
        %get3A_613 = vector.shape_cast %get3A_612 : vector<1x16xf32> to vector<16xf32>
        %mul3A_614 = vector.broadcast %squeeze3A_586 : f32 to vector<16xf32>
        %mul3A_615 = arith.mulf %mul3A_614, %get3A_613 : vector<16xf32>
        %get3A_616 = arith.constant 11 : i32
        %get3A_617 = arith.index_cast %get3A_616 : i32 to index
        %get3A_618 = arith.constant 16 : index
        %get3A_619 = tpu.vector_load %arg21[%get3A_617, %get3A_618] {strides = array<i32>} : memref<13x32xf32, #tpu.memory_space<vmem>>, vector<1x16xf32>,
        %get3A_620 = vector.shape_cast %get3A_619 : vector<1x16xf32> to vector<16xf32>
        %add3A_621 = arith.addf %mul3A_615, %get3A_620 : vector<16xf32>
        %add3A_622 = arith.constant 1 : i32
        %add3A_623 = arith.addi %mul3A_66, %add3A_622 : i32
        %add3A_624 = arith.constant 11 : i32
        %add3A_625 = arith.addi %add3A_623, %add3A_624 : i32
        %swap3A_626 = arith.index_cast %add3A_625 : i32 to index
        %swap3A_627 = arith.constant 16 : index
        %swap3A_628 = tpu.vector_load %arg24[%swap3A_626, %swap3A_627] {strides = array<i32>} : memref<896x32xf32, #tpu.memory_space<vmem>>, vector<1x16xf32>,
        %swap3A_629 = vector.shape_cast %swap3A_628 : vector<1x16xf32> to vector<16xf32>
        %swap3A_630 = vector.shape_cast %add3A_621 : vector<16xf32> to vector<1x16xf32>
        tpu.vector_store %arg24[%swap3A_626, %swap3A_627], %swap3A_630 {strides = array<i32>} : memref<896x32xf32, #tpu.memory_space<vmem>>, vector<1x16xf32>,
        %slice3A_631 = vector.extract_strided_slice %get3A_80 {offsets = [12], sizes = [1], strides = [1]} : vector<16xf32> to vector<1xf32>
        %squeeze3A_632 = vector.extract %slice3A_631[0] : f32 from vector<1xf32>
        %get3A_633 = arith.constant 12 : i32
        %get3A_634 = arith.index_cast %get3A_633 : i32 to index
        %get3A_635 = arith.constant 0 : index
        %get3A_636 = tpu.vector_load %arg20[%get3A_634, %get3A_635] {strides = array<i32>} : memref<13x32xf32, #tpu.memory_space<vmem>>, vector<1x16xf32>,
        %get3A_637 = vector.shape_cast %get3A_636 : vector<1x16xf32> to vector<16xf32>
        %mul3A_638 = vector.broadcast %squeeze3A_632 : f32 to vector<16xf32>
        %mul3A_639 = arith.mulf %mul3A_638, %get3A_637 : vector<16xf32>
        %get3A_640 = arith.constant 12 : i32
        %get3A_641 = arith.index_cast %get3A_640 : i32 to index
        %get3A_642 = arith.constant 0 : index
        %get3A_643 = tpu.vector_load %arg21[%get3A_641, %get3A_642] {strides = array<i32>} : memref<13x32xf32, #tpu.memory_space<vmem>>, vector<1x16xf32>,
        %get3A_644 = vector.shape_cast %get3A_643 : vector<1x16xf32> to vector<16xf32>
        %add3A_645 = arith.addf %mul3A_639, %get3A_644 : vector<16xf32>
        %add3A_646 = arith.constant 1 : i32
        %add3A_647 = arith.addi %mul3A_66, %add3A_646 : i32
        %add3A_648 = arith.constant 12 : i32
        %add3A_649 = arith.addi %add3A_647, %add3A_648 : i32
        %swap3A_650 = arith.index_cast %add3A_649 : i32 to index
        %swap3A_651 = arith.constant 0 : index
        %swap3A_652 = tpu.vector_load %arg24[%swap3A_650, %swap3A_651] {strides = array<i32>} : memref<896x32xf32, #tpu.memory_space<vmem>>, vector<1x16xf32>,
        %swap3A_653 = vector.shape_cast %swap3A_652 : vector<1x16xf32> to vector<16xf32>
        %swap3A_654 = vector.shape_cast %add3A_645 : vector<16xf32> to vector<1x16xf32>
        tpu.vector_store %arg24[%swap3A_650, %swap3A_651], %swap3A_654 {strides = array<i32>} : memref<896x32xf32, #tpu.memory_space<vmem>>, vector<1x16xf32>,
        %get3A_655 = arith.constant 12 : i32
        %get3A_656 = arith.index_cast %get3A_655 : i32 to index
        %get3A_657 = arith.constant 16 : index
        %get3A_658 = tpu.vector_load %arg20[%get3A_656, %get3A_657] {strides = array<i32>} : memref<13x32xf32, #tpu.memory_space<vmem>>, vector<1x16xf32>,
        %get3A_659 = vector.shape_cast %get3A_658 : vector<1x16xf32> to vector<16xf32>
        %mul3A_660 = vector.broadcast %squeeze3A_632 : f32 to vector<16xf32>
        %mul3A_661 = arith.mulf %mul3A_660, %get3A_659 : vector<16xf32>
        %get3A_662 = arith.constant 12 : i32
        %get3A_663 = arith.index_cast %get3A_662 : i32 to index
        %get3A_664 = arith.constant 16 : index
        %get3A_665 = tpu.vector_load %arg21[%get3A_663, %get3A_664] {strides = array<i32>} : memref<13x32xf32, #tpu.memory_space<vmem>>, vector<1x16xf32>,
        %get3A_666 = vector.shape_cast %get3A_665 : vector<1x16xf32> to vector<16xf32>
        %add3A_667 = arith.addf %mul3A_661, %get3A_666 : vector<16xf32>
        %add3A_668 = arith.constant 1 : i32
        %add3A_669 = arith.addi %mul3A_66, %add3A_668 : i32
        %add3A_670 = arith.constant 12 : i32
        %add3A_671 = arith.addi %add3A_669, %add3A_670 : i32
        %swap3A_672 = arith.index_cast %add3A_671 : i32 to index
        %swap3A_673 = arith.constant 16 : index
        %swap3A_674 = tpu.vector_load %arg24[%swap3A_672, %swap3A_673] {strides = array<i32>} : memref<896x32xf32, #tpu.memory_space<vmem>>, vector<1x16xf32>,
        %swap3A_675 = vector.shape_cast %swap3A_674 : vector<1x16xf32> to vector<16xf32>
        %swap3A_676 = vector.shape_cast %add3A_667 : vector<16xf32> to vector<1x16xf32>
        tpu.vector_store %arg24[%swap3A_672, %swap3A_673], %swap3A_676 {strides = array<i32>} : memref<896x32xf32, #tpu.memory_space<vmem>>, vector<1x16xf32>,
        %scan3A_677 = arith.constant 0 : i32
        scf.yield %scan3A_677 : i32
      }
      %scan3A_47 = arith.constant 64 : i32
      %dma_start3A_48 = arith.constant 0 : i32
      %dma_start3A_49 = arith.constant 0 : i32
      %dma_start3A_50 = tpu.memref_slice %arg11[%dma_start3A_48, %dma_start3A_49] : memref<655360x32xf32, #tpu.memory_space<hbm>> -> memref<655360x32xf32, #tpu.memory_space<hbm>>
      tpu.enqueue_indirect_dma source(%arg24 : memref<896x32xf32, #tpu.memory_space<vmem>>) target(%dma_start3A_50 : memref<655360x32xf32, #tpu.memory_space<hbm>>) offsets(%arg18 : memref<896xi32, #tpu.memory_space<vmem>>) semaphore(%arg26 : memref<!tpu.dma_semaphore, #tpu.memory_space<semaphore_mem>>)
      %dma_wait3A = arith.constant 0 : i32
      %dma_wait3A_51 = arith.constant 0 : i32
      %dma_wait3A_52 = tpu.memref_slice %arg7[%dma_wait3A, %dma_wait3A_51] : memref<2609152x32xf32, #tpu.memory_space<hbm>> -> memref<2609152x32xf32, #tpu.memory_space<hbm>>
      tpu.wait_indirect_dma semaphore(%arg25 : memref<!tpu.dma_semaphore, #tpu.memory_space<semaphore_mem>>) src(%dma_wait3A_52 : memref<2609152x32xf32, #tpu.memory_space<hbm>>) dst(%arg23 : memref<1664x32xf32, #tpu.memory_space<vmem>>)
      %dma_start3A_53 = arith.constant 0 : i32
      %dma_start3A_54 = arith.constant 0 : i32
      %dma_start3A_55 = tpu.memref_slice %arg11[%dma_start3A_53, %dma_start3A_54] : memref<655360x32xf32, #tpu.memory_space<hbm>> -> memref<655360x32xf32, #tpu.memory_space<hbm>>
      tpu.enqueue_indirect_dma source(%arg23 : memref<1664x32xf32, #tpu.memory_space<vmem>>) target(%dma_start3A_55 : memref<655360x32xf32, #tpu.memory_space<hbm>>) offsets(%arg17 : memref<1664xi32, #tpu.memory_space<vmem>>) semaphore(%arg26 : memref<!tpu.dma_semaphore, #tpu.memory_space<semaphore_mem>>)
      %dma_wait3A_56 = arith.constant 0 : i32
      %dma_wait3A_57 = arith.constant 0 : i32
      %dma_wait3A_58 = tpu.memref_slice %arg11[%dma_wait3A_56, %dma_wait3A_57] : memref<655360x32xf32, #tpu.memory_space<hbm>> -> memref<655360x32xf32, #tpu.memory_space<hbm>>
      tpu.wait_indirect_dma semaphore(%arg26 : memref<!tpu.dma_semaphore, #tpu.memory_space<semaphore_mem>>) src(%arg24 : memref<896x32xf32, #tpu.memory_space<vmem>>) dst(%dma_wait3A_58 : memref<655360x32xf32, #tpu.memory_space<hbm>>)
      %dma_wait3A_59 = arith.constant 0 : i32
      %dma_wait3A_60 = arith.constant 0 : i32
      %dma_wait3A_61 = tpu.memref_slice %arg11[%dma_wait3A_59, %dma_wait3A_60] : memref<655360x32xf32, #tpu.memory_space<hbm>> -> memref<655360x32xf32, #tpu.memory_space<hbm>>
      tpu.wait_indirect_dma semaphore(%arg26 : memref<!tpu.dma_semaphore, #tpu.memory_space<semaphore_mem>>) src(%arg23 : memref<1664x32xf32, #tpu.memory_space<vmem>>) dst(%dma_wait3A_61 : memref<655360x32xf32, #tpu.memory_space<hbm>>)
      %scan3A_62 = arith.constant 0 : i32
      scf.yield %scan3A_62 : i32
    }
    %scan3A_6 = arith.constant 8 : i32
    return
  }
}

module attributes {stable_mosaic.version = 14 : i64} {
  func.func @_repack_body(%arg0: i32, %arg1: i32, %arg2: memref<1x32x3584xf32, #tpu.memory_space<vmem>>, %arg3: memref<1x32x3584xf32, #tpu.memory_space<vmem>>, %arg4: memref<1x32x3584xf32, #tpu.memory_space<vmem>>, %arg5: memref<1x32x3584xf32, #tpu.memory_space<vmem>>, %arg6: memref<3584x128xf32, #tpu.memory_space<vmem>>) attributes {dimension_semantics = [#tpu.dimension_semantics<arbitrary>, #tpu.dimension_semantics<arbitrary>], iteration_bounds = array<i64: 26, 7>, scalar_prefetch = 0 : i64, scratch_operands = 0 : i64, tpu.core_type = #tpu.core_type<tc>, window_params = [{transform_indices = @transform_0, window_bounds = array<i64: 1, 32, 3584>}, {transform_indices = @transform_1, window_bounds = array<i64: 1, 32, 3584>}, {transform_indices = @transform_2, window_bounds = array<i64: 1, 32, 3584>}, {transform_indices = @transform_3, window_bounds = array<i64: 1, 32, 3584>}, {transform_indices = @transform_4, window_bounds = array<i64: 3584, 128>}]} {
    %get3A = arith.constant 0 : index
    %get3A_0 = arith.constant 0 : index
    %get3A_1 = arith.constant 0 : index
    %get3A_2 = vector.load %arg2[%get3A, %get3A_0, %get3A_1] : memref<1x32x3584xf32, #tpu.memory_space<vmem>>, vector<1x32x3584xf32>
    %get3A_3 = vector.shape_cast %get3A_2 : vector<1x32x3584xf32> to vector<32x3584xf32>
    %get3A_4 = arith.constant 0 : index
    %get3A_5 = arith.constant 0 : index
    %get3A_6 = arith.constant 0 : index
    %get3A_7 = vector.load %arg3[%get3A_4, %get3A_5, %get3A_6] : memref<1x32x3584xf32, #tpu.memory_space<vmem>>, vector<1x32x3584xf32>
    %get3A_8 = vector.shape_cast %get3A_7 : vector<1x32x3584xf32> to vector<32x3584xf32>
    %get3A_9 = arith.constant 0 : index
    %get3A_10 = arith.constant 0 : index
    %get3A_11 = arith.constant 0 : index
    %get3A_12 = vector.load %arg4[%get3A_9, %get3A_10, %get3A_11] : memref<1x32x3584xf32, #tpu.memory_space<vmem>>, vector<1x32x3584xf32>
    %get3A_13 = vector.shape_cast %get3A_12 : vector<1x32x3584xf32> to vector<32x3584xf32>
    %get3A_14 = arith.constant 0 : index
    %get3A_15 = arith.constant 0 : index
    %get3A_16 = arith.constant 0 : index
    %get3A_17 = vector.load %arg5[%get3A_14, %get3A_15, %get3A_16] : memref<1x32x3584xf32, #tpu.memory_space<vmem>>, vector<1x32x3584xf32>
    %get3A_18 = vector.shape_cast %get3A_17 : vector<1x32x3584xf32> to vector<32x3584xf32>
    %concatenate3A = tpu.concatenate %get3A_3, %get3A_8, %get3A_13, %get3A_18 in 0 : vector<32x3584xf32>, vector<32x3584xf32>, vector<32x3584xf32>, vector<32x3584xf32> -> vector<128x3584xf32>
    %transpose3A = tpu.transpose %concatenate3A, [1, 0] : vector<128x3584xf32> -> vector<3584x128xf32>
    %swap3A = arith.constant 0 : index
    %swap3A_19 = arith.constant 0 : index
    %swap3A_20 = vector.load %arg6[%swap3A, %swap3A_19] : memref<3584x128xf32, #tpu.memory_space<vmem>>, vector<3584x128xf32>
    tpu.vector_store %arg6[%swap3A, %swap3A_19], %transpose3A {strides = array<i32>} : memref<3584x128xf32, #tpu.memory_space<vmem>>, vector<3584x128xf32>,
    return
  }
  func.func @transform_0(%arg0: i32, %arg1: i32) -> (i32, i32, i32) {
    %add3A = arith.constant 0 : i32
    %add3A_0 = arith.addi %add3A, %arg1 : i32
    %c0_i32 = arith.constant 0 : i32
    %c0_i32_1 = arith.constant 0 : i32
    return %arg0, %c0_i32, %add3A_0 : i32, i32, i32
  }
  func.func @transform_1(%arg0: i32, %arg1: i32) -> (i32, i32, i32) {
    %add3A = arith.constant 7 : i32
    %add3A_0 = arith.addi %add3A, %arg1 : i32
    %c0_i32 = arith.constant 0 : i32
    %c0_i32_1 = arith.constant 0 : i32
    return %arg0, %c0_i32, %add3A_0 : i32, i32, i32
  }
  func.func @transform_2(%arg0: i32, %arg1: i32) -> (i32, i32, i32) {
    %add3A = arith.constant 14 : i32
    %add3A_0 = arith.addi %add3A, %arg1 : i32
    %c0_i32 = arith.constant 0 : i32
    %c0_i32_1 = arith.constant 0 : i32
    return %arg0, %c0_i32, %add3A_0 : i32, i32, i32
  }
  func.func @transform_3(%arg0: i32, %arg1: i32) -> (i32, i32, i32) {
    %add3A = arith.constant 21 : i32
    %add3A_0 = arith.addi %add3A, %arg1 : i32
    %c0_i32 = arith.constant 0 : i32
    %c0_i32_1 = arith.constant 0 : i32
    return %arg0, %c0_i32, %add3A_0 : i32, i32, i32
  }
  func.func @transform_4(%arg0: i32, %arg1: i32) -> (i32, i32) {
    %mul3A = arith.constant 7 : i32
    %mul3A_0 = arith.muli %arg0, %mul3A : i32
    %add3A = arith.addi %mul3A_0, %arg1 : i32
    %c0_i32 = arith.constant 0 : i32
    %c0_i32_1 = arith.constant 0 : i32
    return %add3A, %c0_i32 : i32, i32
  }
}

module attributes {stable_mosaic.version = 14 : i64} {
  func.func @_outxpose_body(%arg0: i32, %arg1: memref<16384x128xf32, #tpu.memory_space<vmem>>, %arg2: memref<128x16384xf32, #tpu.memory_space<vmem>>) attributes {dimension_semantics = [#tpu.dimension_semantics<arbitrary>], iteration_bounds = array<i64: 10>, scalar_prefetch = 0 : i64, scratch_operands = 0 : i64, tpu.core_type = #tpu.core_type<tc>, window_params = [{transform_indices = @transform_0, window_bounds = array<i64: 16384, 128>}, {transform_indices = @transform_1, window_bounds = array<i64: 128, 16384>}]} {
    %get3A = arith.constant 0 : index
    %get3A_0 = arith.constant 0 : index
    %get3A_1 = vector.load %arg1[%get3A, %get3A_0] : memref<16384x128xf32, #tpu.memory_space<vmem>>, vector<16384x128xf32>
    %transpose3A = tpu.transpose %get3A_1, [1, 0] : vector<16384x128xf32> -> vector<128x16384xf32>
    %swap3A = arith.constant 0 : index
    %swap3A_2 = arith.constant 0 : index
    %swap3A_3 = vector.load %arg2[%swap3A, %swap3A_2] : memref<128x16384xf32, #tpu.memory_space<vmem>>, vector<128x16384xf32>
    tpu.vector_store %arg2[%swap3A, %swap3A_2], %transpose3A {strides = array<i32>} : memref<128x16384xf32, #tpu.memory_space<vmem>>, vector<128x16384xf32>,
    return
  }
  func.func @transform_0(%arg0: i32) -> (i32, i32) {
    %c0_i32 = arith.constant 0 : i32
    %c0_i32_0 = arith.constant 0 : i32
    return %c0_i32, %arg0 : i32, i32
  }
  func.func @transform_1(%arg0: i32) -> (i32, i32) {
    %c0_i32 = arith.constant 0 : i32
    %c0_i32_0 = arith.constant 0 : i32
    return %arg0, %c0_i32 : i32, i32
  }
}

</mosaic_0001>

<sc_bundles>
// kernel: kernel.5.cloned.1.call-start
scs
__scs_entry_jumppad:
0x0: {  	(pc) =	sbr.rel $0x88, $3  }
0x1: {  	(tag) =	ssettag $0x0;
	lr =	simm.s32 $0x1  }
0x2: {  	[smem:$0x3F9B] =	sst lr;
	_ =	strace $0xD0000000  }
0x3: {  	_ = 	snop  }
0x4: {  	_ = 	snop  }
0x5: {  	_ = 	snop  }
0x6: {  	_ = 	snop  }
0x7: {  	_ = 	snop  }
__scs_overlays_trampoline_lowered:
0x8: {  	[smem:$0x3FAA] =	sst s0  }
0x9: {  	[smem:$0x3FAB] =	sst s1  }
0xa: {  	[smem:$0x3FAC] =	sst s2  }
0xb: {  	[smem:$0x3FAD] =	sst s3  }
0xc: {  	[smem:$0x3FAE] =	sst s4  }
0xd: {  	[smem:$0x3FAF] =	sst s5  }
0xe: {  	[smem:$0x3FB0] =	sst s6  }
0xf: {  	[smem:$0x3FB1] =	sst s7  }
0x10: {  	[smem:$0x3FB2] =	sst s8  }
0x11: {  	[smem:$0x3FB3] =	sst s9;
	s0 =	simm.s32 @!p0 $0x0  }
0x12: {  	s1 =	sld [smem:$0x3F99];
	s0 =	simm.s32 @p0 $0x1  }
0x13: {  	[smem:$0x3FB4] =	sst s0;
	s0 =	simm.s32 @!p1 $0x0  }
0x14: {  	s2 =	sld [smem:$0x3F98];
	s0 =	simm.s32 @p1 $0x1  }
0x15: {  	[smem:$0x3FB5] =	sst s0;
	s0 =	simm.s32 @!p2 $0x0  }
0x16: {  	s3 =	sld [smem:$0x3FDB];
	s0 =	simm.s32 @p2 $0x1  }
0x17: {  	s4 =	simm.s32 $0x1BF5;
	[smem:$0x3FB7] =	sst s0  }
0x18: {  	s0 =	sld [smem:$0x3F9A];
	_ =	swait.ge [sflag:s4], $0x0  }
0x19: {  	s7 =	sld [smem:$0x3F9B]  }
0x1a: {  	s8 =	sadd.s32 $0xFFFFE003, lr  }
0x1b: {  	s9 =	sadd.s32 $0xFFFFFEF7, lr;
	s5 =	simm.s32 $0xFFFFFFFF;
	p2 =	slt.u32 s8, $0xFFFFF086  }
0x1c: {  	p1 =	slt.u32 s9, $0xF7A;
	s5 =	simm.s32 @!p2 $0x0  }
0x1d: {  	s5 =	simm.s32 @p1 $0x1;
	p0 =	seq.s32 s7, s2  }
0x1e: {  	s7 =	smul.u32 @!p0 $0xF7A, s2;
	p2 =	seq.s32 @!p0 s5, $0x0  }
0x1f: {  	s9 =	smul.u32 $0xF7A, s1;
	s8 =	simm.s32 @!p0 $0x1BF5;
	p2 =	por !p2, p0  }
0x20: {  	[sflag:s8] =	ssyncset.s32 @!p0 $0xFFFFF086;
	s6 =	sadd.s32 @!p0 s3, s7;
	s7 =	simm.s32 @!p0 $0x108  }
0x21: {  	s3 =	sadd.s32 s3, s9;
	s6 =	sadd.s32 @!p0 $0x88, s6;
	s7 =	simm.s32 @p2 $0x1082  }
0x22: {  	[simem:s7], [sflag:s8] =	dma.local @!p0 [hbm:s6], $0xF7A  }
0x23: {  	s9 =	sor.u32 $0xD0000000, s2;
	s6 =	simm.s32 $0x108;
	_ =	swait.ge @!p0 [sflag:s8], $0x0  }
0x24: {  	s3 =	sadd.s32 $0x88, s3;
	s6 =	simm.s32 @!p1 $0x1082;
	[sflag:s4] =	ssyncset.s32 $0xFFFFF086  }
0x25: {  	[simem:s6], [sflag:s4] =	dma.local [hbm:s3], $0xF7A  }
0x26: {  	[smem:$0x3F9B] =	sst s1;
	(tag) =	ssettag s2;
	_ =	strace s9  }
0x27: {  	s1 =	sld [smem:$0x3FAB]  }
0x28: {  	s2 =	sld [smem:$0x3FAC]  }
0x29: {  	s4 =	sld [smem:$0x3FAE]  }
0x2a: {  	p0 =	seq.s32 s5, $0x0;
	s5 =	sld [smem:$0x3FAF]  }
0x2b: {  	s6 =	sld [smem:$0x3FB0]  }
0x2c: {  	s7 =	sld [smem:$0x3FB1]  }
0x2d: {  	s3 =	simm.s32 $0x108;
	s8 =	sld [smem:$0x3FB2]  }
0x2e: {  	s3 =	simm.s32 @!p0 $0x1082;
	s9 =	sld [smem:$0x3FB3]  }
0x2f: {  	lr =	sadd.s32 s0, s3;
	s0 =	sld [smem:$0x3FAA]  }
0x30: {  	s3 =	sld [smem:$0x3FAD]  }
0x31: {  	[smem:$0x3FB6] =	sst s10  }
0x32: {  	s10 =	sld [smem:$0x3FB4];
	_ =	sdelay $0x3  }
0x33: {  	p0 =	seq.s32 s10, $0x1;
	s10 =	sld [smem:$0x3FB6];
	_ =	sdelay $0x3  }
0x34: {  	[smem:$0x3FB6] =	sst s10  }
0x35: {  	s10 =	sld [smem:$0x3FB5];
	_ =	sdelay $0x3  }
0x36: {  	p1 =	seq.s32 s10, $0x1;
	s10 =	sld [smem:$0x3FB6];
	_ =	sdelay $0x3  }
0x37: {  	[smem:$0x3FB6] =	sst s10  }
0x38: {  	s10 =	sld [smem:$0x3FB7]  }
0x39: {  	_ = 	snop;
	(pc) =	sbr.ind lr, $3  }
0x3a: {  	_ = 	snop  }
0x3b: {  	_ = 	snop  }
0x3c: {  	p2 =	seq.s32 s10, $0x1;
	s10 =	sld [smem:$0x3FB6]  }
0x3d: {  	_ =	shalt  }
0x3e: {  	_ =	shalt  }
0x3f: {  	_ =	shalt  }
0x40: {  	_ =	shalt  }
0x41: {  	_ =	shalt  }
0x42: {  	_ =	shalt  }
0x43: {  	_ =	shalt  }
0x44: {  	_ =	shalt  }
0x45: {  	_ =	shalt  }
0x46: {  	_ =	shalt  }
0x47: {  	_ =	shalt  }
0x48: {  	_ =	shalt  }
0x49: {  	_ =	shalt  }
0x4a: {  	_ =	shalt  }
0x4b: {  	_ =	shalt  }
0x4c: {  	_ =	shalt  }
0x4d: {  	_ =	shalt  }
0x4e: {  	_ =	shalt  }
0x4f: {  	_ =	shalt  }
0x50: {  	_ =	shalt  }
0x51: {  	_ =	shalt  }
0x52: {  	_ =	shalt  }
0x53: {  	_ =	shalt  }
0x54: {  	_ =	shalt  }
0x55: {  	_ =	shalt  }
0x56: {  	_ =	shalt  }
0x57: {  	_ =	shalt  }
0x58: {  	_ =	shalt  }
0x59: {  	_ =	shalt  }
0x5a: {  	_ =	shalt  }
0x5b: {  	_ =	shalt  }
0x5c: {  	_ =	shalt  }
0x5d: {  	_ =	shalt  }
0x5e: {  	_ =	shalt  }
0x5f: {  	_ =	shalt  }
0x60: {  	_ =	shalt  }
0x61: {  	_ =	shalt  }
0x62: {  	_ =	shalt  }
0x63: {  	_ =	shalt  }
0x64: {  	_ =	shalt  }
0x65: {  	_ =	shalt  }
0x66: {  	_ =	shalt  }
0x67: {  	_ =	shalt  }
0x68: {  	_ =	shalt  }
0x69: {  	_ =	shalt  }
0x6a: {  	_ =	shalt  }
0x6b: {  	_ =	shalt  }
0x6c: {  	_ =	shalt  }
0x6d: {  	_ =	shalt  }
0x6e: {  	_ =	shalt  }
0x6f: {  	_ =	shalt  }
0x70: {  	_ =	shalt  }
0x71: {  	_ =	shalt  }
0x72: {  	_ =	shalt  }
0x73: {  	_ =	shalt  }
0x74: {  	_ =	shalt  }
0x75: {  	_ =	shalt  }
0x76: {  	_ =	shalt  }
0x77: {  	_ =	shalt  }
0x78: {  	_ =	shalt  }
0x79: {  	_ =	shalt  }
0x7a: {  	_ =	shalt  }
0x7b: {  	_ =	shalt  }
0x7c: {  	_ =	shalt  }
0x7d: {  	_ =	shalt  }
0x7e: {  	_ =	shalt  }
0x7f: {  	_ =	shalt  }
0x80: {  	_ =	shalt  }
0x81: {  	_ =	shalt  }
0x82: {  	_ =	shalt  }
0x83: {  	_ =	shalt  }
0x84: {  	_ =	shalt  }
0x85: {  	_ =	shalt  }
0x86: {  	_ =	shalt  }
0x87: {  	_ =	shalt  }
.Lfunc_end0:
.L_simem_size_0:
called_computation_lowered:
.L_overlay_start_0:
0x88: {  	s2 =	sld [smem:$0x3FD9]  }
0x89: {  	s3 =	sld [smem:$0x3FFE];
	_ =	sdelay $0x1  }
0x8a: {  	s1 =	srdreg.scid  }
0x8b: {  	s0 =	sand.u32 $0x1, s1  }
0x8c: {  	s17 =	sshll.u32 s0, $0xA;
	s2 =	sadd.s32 s3, s2  }
0x8d: {  	s2 =	sadd.s32 s2, s17  }
0x8e: {  	[smem:$0x3FC2] =	sst s2  }
0x8f: {  	_ = 	snop  }
0x90: {  	s2 =	sld [smem:$0x3FC7]  }
0x91: {  	s18 =	sld [smem:$0x3FD0];
	(tm) =	ssettm $0x1  }
0x92: {  	s4 =	sld [smem:$0x3FFB];
	_ =	sdelay $0x3  }
0x93: {  	_ =	strace s4  }
0x94: {  	s4 =	sld [smem:$0x3FFC];
	_ =	sdelay $0x3  }
0x95: {  	_ =	strace s4  }
0x96: {  	s4 =	sld [smem:$0x3FFD];
	_ =	sdelay $0x3  }
0x97: {  	_ =	strace s4  }
0x98: {  	_ =	strace $0x8FFFFFFF  }
0x99: {  	s19 =	sld [smem:$0x3FDB];
	_ =	sdelay $0x1  }
0x9a: {  	s5 =	simm.s32 $_scs_section_size  }
0x9b: {  	s6 =	simm.s32 $_size__tile_overlayer_lowered;
	s7 =	simm.s32 $_tile_overlayer_lowered  }
0x9c: {  	s22 =	simm.s32 $0x1BFF;
	s21 =	sshll.u32 s7, $0x1;
	s4 =	sadd.s32 s5, s19  }
0x9d: {  	s8 =	simm.s32 $0x0;
	s20 =	sshll.u32 s6, $0x1;
	s6 =	sadd.s32 s21, s4  }
0x9e: {  	[timem:s8], [sflag:s22] =	dma.local [hbm:s6], s20  }
0x9f: {  	_ =	swait.ge [sflag:s22], s20  }
0xa0: {  	s5 =	ssub.s32 $0x0, s20;
	[sflag:s22] =	ssyncset.done $0x0  }
0xa1: {  	[sflag:s22] =	ssyncadd.s32 s5;
	_ =	sdelay $0x1  }
0xa2: {  	s23 =	simm.s32 $0x1B8B  }
0xa3: {  	_ =	swait.ge [sflag:s23], $0x1  }
0xa4: {  	[sflag:s23] =	ssyncset.done $0x0  }
0xa5: {  	s25 =	simm.s32 $0x1B8E;
	s24 =	sld [smem:$0x3FFE];
	[sflag:s23] =	ssyncadd.s32 $0xFFFFFFFF  }
0xa6: {  	s26 =	simm.s32 $execute0_lowered;
	[smem:$0x3FD2] =	sst s25  }
0xa7: {  	s6 =	sshll.u32 s26, $0x1;
	_ =	strace $0x80000046;
	[dreg:$0x1] =	wrdreg $0xFFFFFFFF  }
0xa8: {  	s28 =	simm.s32 $_size_execute0_lowered;
	s4 =	sadd.s32 s4, s6;
	[dreg:$0x0] =	wrdreg $0x0  }
0xa9: {  	s6 =	sshll.u32 s28, $0x1;
	[dreg:$0x2] =	wrdreg s4  }
0xaa: {  	[dreg:$0x3] =	wrdreg s6  }
0xab: {  	[dreg:$0x4] =	wrdreg $0xC0  }
0xac: {  	_ =	task [dreg:s8], $0x5FFFF  }
0xad: {  	[dreg:$0x1] =	wrdreg $0xFFFFFFFF  }
0xae: {  	[dreg:$0x0] =	wrdreg $0x60  }
0xaf: {  	[dreg:$0x2] =	wrdreg s24  }
0xb0: {  	[dreg:$0x3] =	wrdreg s2  }
0xb1: {  	[dreg:$0x4] =	wrdreg s18  }
0xb2: {  	[dreg:$0x5] =	wrdreg $0x9  }
0xb3: {  	_ =	task.clear_ibuf [dreg:s8], $0x6FFFF;
	_ =	strace $0x90000046  }
0xb4: {  	s29 =	simm.s32 $0x9;
	_ =	strace $0x80000048  }
0xb5: {  	_ =	swait.ge [sflag:s29], $0x1  }
0xb6: {  	[sflag:s29] =	ssyncadd.s32 $0xFFFFFFFF  }
0xb7: {  	_ =	strace $0x90000048  }
0xb8: {  	_ =	sfence  }
0xb9: {  	s30 =	sld [smem:$0x0];
	_ =	sdelay $0x2  }
0xba: {  	s31 =	sshll.u32 s1, $0xD;
	s1 =	sshrl.u32 s1, $0x2  }
0xbb: {  	s3 =	sand.u32 $0x4000, s31;
	s1 =	sadd.s32 s1, s30  }
0xbc: {  	s0 =	sor.u32 s3, s0;
	s1 =	sshll.u32 s1, $0x11  }
0xbd: {  	s0 =	sor.u32 s1, s0  }
0xbe: {  	s0 =	sadd.s32 $0x8F2B, s0  }
0xbf: {  	[sflag:s0] =	ssyncadd.remote.s32 $0x1  }
0xc0: {  	_ =	sfence.sel $0xFFFF  }
0xc1: {  	[dreg:$0x0] =	wrdreg $0xFFFFFFFF;
	(pc) =	sbr.abs _section_cstart, $3  }
0xc2: {  	[dreg:$0x1] =	wrdreg $0xFFFFFFFF  }
0xc3: {  	_ =	task.clear_ibuf [dreg:s8], $0x2FFFF;
	_ =	strace $0x9FFFFFFF  }
0xc4: {  	(tm) =	ssettm $0x7FFFFFFF  }
0xc5: {  	_ =	shalt  }
tec
execute0_lowered:
.L_overlay_start_1:
0x0: {  	(tag) =	ssettag $0x1  }
0x1: {  	s0 =	rddreg [dreg:$0x0]  }
0x2: {  	s2 =	rddreg [dreg:$0x2]  }
0x3: {  	s3 =	simm.s32 $0x0;
	s1 =	srdreg.scid;
	s12 =	stileid.u32  }
0x4: {  	s16 =	simm.s32 $0x3;
	s21 =	simm.s32 $0x1A00;
	s22 =	simm.s32 $0x2780  }
0x5: {  	s23 =	simm.s32 $0x680;
	s24 =	simm.s32 $0x2EE0;
	s25 =	simm.s32 $0x380  }
0x6: {  	s28 =	simm.s32 $0xFEE0;
	s29 =	simm.s32 $0x1;
	s30 =	simm.s32 $0x1D80  }
0x7: {  	s31 =	simm.s32 $0x2;
	[smem:$0x7FF] =	sst s3;
	s4 =	sadd.s32 $0xE00, s0  }
0x8: {  	s5 =	sadd.s32 $0x8E00, s0;
	s6 =	sadd.s32 $0xA00, s0;
	s7 =	sadd.s32 $0xC00, s0  }
0x9: {  	s9 =	sadd.s32 $0x15E00, s0;
	s10 =	sadd.s32 $0xA0A200, s0;
	s1 =	sand.u32 $0x1, s1  }
0xa: {  	s11 =	sadd.s32 $0xA0A000, s0;
	s14 =	sshll.u32 s12, $0x4;
	s8 =	ssub.s32 $0x2, s1  }
0xb: {  	s12 =	sadd.s32 $0xA09E00, s0;
	s0 =	simm.s32 $0x0;
	s13 =	sshrl.u32 s8, $0x1  }
0xc: {  	_ =	strace $0x80000047;
	s1 =	sshll.u32 s1, $0x3;
	s26 =	ssub.s32 s8, s13  }
0xd: {  	v0 =	vimm.s32 $0x0;
	s13 =	sor.u32 s1, s14;
	s14 =	smax.u32 s26, $0x1;
	s26 =	simm.s32 $0x2400  }
.LBB2_1:
0xe: {  	s1 =	simm.s32 $0x2B80  }
0xf: {  	[tilespmem:s1], [sflag:$0x3] =	stream.linear.gather [hbm4b:s6+s3], $0x1A0, $0x38;
	[tilespmem:$0x16EE0] =	vst v63  }
0x10: {  	_ =	swait.ge [sflag:s16], $0x1A0  }
0x11: {  	[sflag:s16] =	ssyncset.done $0x0  }
0x12: {  	s17 =	simm.s32 $0x2D20;
	[sflag:s16] =	ssyncadd.s32 $0xFFFFFE60  }
0x13: {  	[tilespmem:s17], [sflag:$0x3] =	stream.linear.gather [hbm4b:s7+s3], $0x1A0, $0x38;
	[tilespmem:$0x16EE0] =	vst v63  }
0x14: {  	_ =	swait.ge [sflag:s16], $0x1A0  }
0x15: {  	[sflag:s16] =	ssyncset.done $0x0  }
0x16: {  	[sflag:s16] =	ssyncadd.s32 $0xFFFFFE60  }
0x17: {  	s8 =	simm.s32 $0x2EC0;
	s18 =	rddreg [dreg:$0x1]  }
0x18: {  	[tilespmem:s8], [sflag:$0x3] =	stream.linear.gather [hbm4b:s18+s3], $0x20, $0x38;
	[tilespmem:$0x16EE0] =	vst v63  }
0x19: {  	_ =	swait.ge [sflag:s16], $0x20  }
0x1a: {  	[sflag:s16] =	ssyncset.done $0x0  }
0x1b: {  	s19 =	simm.s32 $0xD00;
	[sflag:s16] =	ssyncadd.s32 $0xFFFFFFE0  }
0x1c: {  	[tilespmem:s19], [sflag:$0x3] =	stream.linear.gather [hbm4b:s10+s3], $0x680, $0x38;
	[tilespmem:$0x16EE0] =	vst v63  }
0x1d: {  	_ =	swait.ge [sflag:s16], $0x680  }
0x1e: {  	[sflag:s16] =	ssyncset.done $0x0  }
0x1f: {  	s20 =	simm.s32 $0x1380;
	[sflag:s16] =	ssyncadd.s32 $0xFFFFF980  }
0x20: {  	[tilespmem:s20], [sflag:$0x3] =	stream.linear.gather [hbm4b:s11+s3], $0x680, $0x38;
	[tilespmem:$0x16EE0] =	vst v63  }
0x21: {  	_ =	swait.ge [sflag:s16], $0x680  }
0x22: {  	[sflag:s16] =	ssyncset.done $0x0  }
0x23: {  	[sflag:s16] =	ssyncadd.s32 $0xFFFFF980  }
0x24: {  	[tilespmem:s21], [sflag:$0x3] =	stream.linear.gather [hbm4b:s12+s3], $0x380, $0x38;
	[tilespmem:$0x16EE0] =	vst v63  }
0x25: {  	_ =	swait.ge [sflag:s16], $0x380  }
0x26: {  	[sflag:s16] =	ssyncset.done $0x0  }
0x27: {  	s8 =	simm.s32 $0x0;
	[sflag:s16] =	ssyncadd.s32 $0xFFFFFC80  }
.LBB2_2:
0x28: {  	s15 =	sadd.s32 s13, s8  }
0x29: {  	s1 =	smul.u32 $0xD0, s15;
	_ =	sdelay $0x1  }
0x2a: {  	s17 =	simm.s32 $0x0;
	s1 =	sadd.s32 s5, s1  }
0x2b: {  	[tilespmem:s17], [sflag:$0x3] =	stream.linear.gather [hbm4b:s1+s17], $0x680, $0x38;
	[tilespmem:$0x16EE0] =	vst v63  }
0x2c: {  	_ =	swait.ge [sflag:s16], $0x680  }
0x2d: {  	s20 =	sshll.u32 s15, $0x7;
	[sflag:s16] =	ssyncset.done $0x0  }
0x2e: {  	s1 =	sadd.s32 s4, s20;
	[sflag:s16] =	ssyncadd.s32 $0xFFFFF980  }
0x2f: {  	[tilespmem:s22], [sflag:$0x3] =	stream.linear.gather [hbm4b:s1+s17], $0x400, $0x38;
	[tilespmem:$0x16EE0] =	vst v63  }
0x30: {  	_ =	swait.ge [sflag:s16], $0x400  }
0x31: {  	[sflag:s16] =	ssyncset.done $0x0  }
0x32: {  	s1 =	simm.s32 $0x0;
	[sflag:s16] =	ssyncadd.s32 $0xFFFFFC00  }
0x33: {  	v2 =	vld [tilespmem:s1+$0x0];
	_ =	sdelay $0x2  }
0x34: {  	v7 =	vld [tilespmem:s1+$0x1380]  }
0x35: {  	s17 =	simm.s32 $0x10  }
0x36: {  	s15 =	smul.u32 $0xA00, s15;
	v3 =	vld [tilespmem:s17+$0x0];
	vm0 =	vgt.s32 v2, $0x61FF;
	vm1 =	vgt.s32 v2, $0xC3FF  }
0x37: {  	v4 =	vld [tilespmem:s17+$0x1380];
	vm15 =	vgt.s32 v2, $0x125FF;
	v5 =	vsel vm0, $0x1, v0;
	v6 =	vsel vm1, $0x1, v0  }
0x38: {  	v1 =	vmov s15;
	v8 =	vsel vm15, $0x1, v0;
	v6 =	vadd.s32 v6, v5;
	v5 =	vld [tilespmem:s1+$0xD00]  }
0x39: {  	v6 =	vadd.s32 v8, v6;
	v8 =	vadd.s32 v1, v7  }
0x3a: {  	s19 =	simm.s32 $0x80;
	s18 =	simm.s32 $0x0;
	s15 =	simm.s32 $0x40;
	v7 =	vmul.u32 $0x3FFF9E00, v6;
	[tilespmem:s1+$0x1D80] =	vst v8  }
.LBB2_3:
0x3b: {  	s20 =	sshra.s32 s19, $0x2;
	vm0 =	vgt.s32 v3, $0x61FF;
	vm1 =	vgt.s32 v3, $0x125FF;
	p0 =	sne.s32 s19, $0x19C0  }
.Ltmp0:
0x3c: {  	s19 =	sadd.s32 $0x40, s19;
	v8 =	vsel vm0, $0x1, v0;
	vm0 =	vgt.s32 v3, $0xC3FF;
	v7 =	vadd.s32 v2, v7;
	v2 =	vmovc v3;
	v3 =	vld [tilespmem:s20+$0x0];
	v9 =	vmovc v4;
	(pc) =	sbr.rel @p0 .LBB2_3-.Ltmp0, $4  }
0x3d: {  	v4 =	vld [tilespmem:s20+$0x1380];
	v10 =	vsel vm0, $0x1, v0;
	v7 =	vshll.u32 v7, $0x2;
	v6 =	vadd.s32 v5, v6  }
0x3e: {  	v8 =	vadd.s32 v10, v8;
	v10 =	vsel vm1, $0x1, v0;
	v5 =	vld [tilespmem:s17+$0xD00];
	v7 =	vadd.s32 v7, v6  }
0x3f: {  	v6 =	vadd.s32 v10, v8;
	v8 =	vadd.s32 v1, v9;
	[tilespmem:s18+$0x680] =	vst v7;
	s18 =	smov.u32 s17;
	s17 =	smov.u32 s20  }
0x40: {  	v7 =	vmul.u32 $0x3FFF9E00, v6;
	[tilespmem:s18+$0x1D80] =	vst v8  }
0x41: {  	vm0 =	vgt.s32 v3, $0x61FF;
	vm1 =	vgt.s32 v3, $0xC3FF  }
0x42: {  	vm15 =	vgt.s32 v3, $0x125FF;
	v8 =	vsel vm0, $0x1, v0;
	v9 =	vsel vm1, $0x1, v0  }
0x43: {  	v10 =	vld [tilespmem:s17+$0xD00];
	v62 =	vsel vm15, $0x1, v0;
	v8 =	vadd.s32 v9, v8  }
0x44: {  	v8 =	vadd.s32 v62, v8  }
0x45: {  	v2 =	vadd.s32 v2, v7;
	v63 =	vmul.u32 $0x3FFF9E00, v8  }
0x46: {  	v5 =	vadd.s32 v5, v6;
	v2 =	vshll.u32 v2, $0x2  }
0x47: {  	v2 =	vadd.s32 v2, v5;
	v3 =	vadd.s32 v3, v63  }
0x48: {  	v4 =	vadd.s32 v1, v4;
	[tilespmem:s18+$0x680] =	vst v2;
	v2 =	vshll.u32 v3, $0x2;
	v3 =	vadd.s32 v10, v8  }
0x49: {  	[tilespmem:s17+$0x1D80] =	vst v4;
	v2 =	vadd.s32 v2, v3  }
0x4a: {  	[tilespmem:s17+$0x680] =	vst v2  }
0x4b: {  	v2 =	vld [tilespmem:s1+$0x1A00]  }
.LBB2_5:
0x4c: {  	p0 =	sne.s32 s15, $0xDC0  }
.Ltmp1:
0x4d: {  	_ = 	snop;
	(pc) =	sbr.rel @p0 .LBB2_5-.Ltmp1, $3  }
0x4e: {  	_ =	sdelay $0x1  }
0x4f: {  	s17 =	sshra.s32 s15, $0x2;
	s15 =	sadd.s32 $0x40, s15;
	v3 =	vadd.s32 v1, v2  }
0x50: {  	v2 =	vld [tilespmem:s17+$0x1A00];
	[tilespmem:s1+$0x2400] =	vst v3;
	s1 =	smov.u32 s17  }
0x51: {  	_ =	sdelay $0x3  }
0x52: {  	v1 =	vadd.s32 v1, v2  }
0x53: {  	[tilespmem:s1+$0x2400] =	vst v1  }
0x54: {  	[tilespmem:s24], [sflag:$0x1] =	stream.indirect.gather [hbm4b:s9+s23], $0x20, s23, s23, $0xb8;
	[tilespmem:$0x16EE0] =	vst v63  }
0x55: {  	v1 =	vld [tilespmem:$0x2ED0]  }
0x56: {  	v2 =	vld [tilespmem:$0x2EC0];
	_ =	sdelay $0x2  }
0x57: {  	s15 =	simm.s32 $0xFFC0  }
0x58: {  	[tilespmem:s15+$0xFFFFFF30] =	vst v1  }
0x59: {  	s20 =	simm.s32 $0x0;
	[tilespmem:s15+$0xFFFFFF20] =	vst v2  }
0x5a: {  	v3 =	vld [tilespmem:s20+$0x2780];
	_ =	sdelay $0x1  }
0x5b: {  	v4 =	vld [tilespmem:$0x2B80];
	_ =	sdelay $0x1  }
0x5c: {  	v5 =	vld [tilespmem:$0x2D20]  }
0x5d: {  	v6 =	vbroadcast v3, $0x0;
	_ =	sdelay $0x1  }
0x5e: {  	v4 =	vmul.f32 v4, v6;
	_ =	sdelay $0x1  }
0x5f: {  	v4 =	vadd.f32 v5, v4;
	_ =	sdelay $0x1  }
0x60: {  	[tilespmem:s15+$0xFFFFFF40] =	vst v4  }
0x61: {  	v4 =	vld [tilespmem:$0x2B90];
	_ =	sdelay $0x1  }
0x62: {  	v5 =	vld [tilespmem:$0x2D30];
	_ =	sdelay $0x2  }
0x63: {  	v4 =	vmul.f32 v4, v6;
	_ =	sdelay $0x1  }
0x64: {  	v4 =	vadd.f32 v5, v4;
	_ =	sdelay $0x1  }
0x65: {  	[tilespmem:s15+$0xFFFFFF50] =	vst v4  }
0x66: {  	v4 =	vld [tilespmem:$0x2BA0];
	_ =	sdelay $0x1  }
0x67: {  	v5 =	vld [tilespmem:$0x2D40]  }
0x68: {  	v53 =	vbroadcast v3, $0x1;
	_ =	sdelay $0x1  }
0x69: {  	v4 =	vmul.f32 v4, v53;
	_ =	sdelay $0x1  }
0x6a: {  	v4 =	vadd.f32 v5, v4;
	_ =	sdelay $0x1  }
0x6b: {  	[tilespmem:s15+$0xFFFFFF60] =	vst v4  }
0x6c: {  	v4 =	vld [tilespmem:$0x2BB0];
	_ =	sdelay $0x1  }
0x6d: {  	v5 =	vld [tilespmem:$0x2D50];
	_ =	sdelay $0x2  }
0x6e: {  	v4 =	vmul.f32 v4, v53;
	_ =	sdelay $0x1  }
0x6f: {  	v4 =	vadd.f32 v5, v4;
	_ =	sdelay $0x1  }
0x70: {  	[tilespmem:s15+$0xFFFFFF70] =	vst v4  }
0x71: {  	v4 =	vld [tilespmem:$0x2BC0];
	_ =	sdelay $0x1  }
0x72: {  	v5 =	vld [tilespmem:$0x2D60]  }
0x73: {  	v54 =	vbroadcast v3, $0x2;
	_ =	sdelay $0x1  }
0x74: {  	v4 =	vmul.f32 v4, v54;
	_ =	sdelay $0x1  }
0x75: {  	v4 =	vadd.f32 v5, v4;
	_ =	sdelay $0x1  }
0x76: {  	[tilespmem:s15+$0xFFFFFF80] =	vst v4  }
0x77: {  	v4 =	vld [tilespmem:$0x2BD0];
	_ =	sdelay $0x1  }
0x78: {  	v5 =	vld [tilespmem:$0x2D70];
	_ =	sdelay $0x2  }
0x79: {  	v4 =	vmul.f32 v4, v54;
	_ =	sdelay $0x1  }
0x7a: {  	v4 =	vadd.f32 v5, v4;
	_ =	sdelay $0x1  }
0x7b: {  	[tilespmem:s15+$0xFFFFFF90] =	vst v4  }
0x7c: {  	v4 =	vld [tilespmem:$0x2BE0];
	_ =	sdelay $0x1  }
0x7d: {  	v5 =	vld [tilespmem:$0x2D80]  }
0x7e: {  	v55 =	vbroadcast v3, $0x3;
	_ =	sdelay $0x1  }
0x7f: {  	v4 =	vmul.f32 v4, v55;
	_ =	sdelay $0x1  }
0x80: {  	v4 =	vadd.f32 v5, v4;
	_ =	sdelay $0x1  }
0x81: {  	[tilespmem:s15+$0xFFFFFFA0] =	vst v4  }
0x82: {  	v4 =	vld [tilespmem:$0x2BF0];
	_ =	sdelay $0x1  }
0x83: {  	v5 =	vld [tilespmem:$0x2D90];
	_ =	sdelay $0x2  }
0x84: {  	v4 =	vmul.f32 v4, v55;
	_ =	sdelay $0x1  }
0x85: {  	v4 =	vadd.f32 v5, v4;
	_ =	sdelay $0x1  }
0x86: {  	[tilespmem:s15+$0xFFFFFFB0] =	vst v4  }
0x87: {  	v4 =	vld [tilespmem:$0x2C00];
	_ =	sdelay $0x1  }
0x88: {  	v5 =	vld [tilespmem:$0x2DA0]  }
0x89: {  	v56 =	vbroadcast v3, $0x4;
	_ =	sdelay $0x1  }
0x8a: {  	v4 =	vmul.f32 v4, v56;
	_ =	sdelay $0x1  }
0x8b: {  	v4 =	vadd.f32 v5, v4;
	_ =	sdelay $0x1  }
0x8c: {  	[tilespmem:s15+$0xFFFFFFC0] =	vst v4  }
0x8d: {  	v4 =	vld [tilespmem:$0x2C10];
	_ =	sdelay $0x1  }
0x8e: {  	v5 =	vld [tilespmem:$0x2DB0];
	_ =	sdelay $0x2  }
0x8f: {  	v4 =	vmul.f32 v4, v56;
	_ =	sdelay $0x1  }
0x90: {  	v4 =	vadd.f32 v5, v4;
	_ =	sdelay $0x1  }
0x91: {  	[tilespmem:s15+$0xFFFFFFD0] =	vst v4  }
0x92: {  	v4 =	vld [tilespmem:$0x2C20];
	_ =	sdelay $0x1  }
0x93: {  	v5 =	vld [tilespmem:$0x2DC0]  }
0x94: {  	v57 =	vbroadcast v3, $0x5;
	_ =	sdelay $0x1  }
0x95: {  	v4 =	vmul.f32 v4, v57;
	_ =	sdelay $0x1  }
0x96: {  	v4 =	vadd.f32 v5, v4;
	_ =	sdelay $0x1  }
0x97: {  	[tilespmem:s15+$0xFFFFFFE0] =	vst v4  }
0x98: {  	v4 =	vld [tilespmem:$0x2C30];
	_ =	sdelay $0x1  }
0x99: {  	v5 =	vld [tilespmem:$0x2DD0];
	_ =	sdelay $0x2  }
0x9a: {  	v4 =	vmul.f32 v4, v57;
	_ =	sdelay $0x1  }
0x9b: {  	v4 =	vadd.f32 v5, v4;
	_ =	sdelay $0x1  }
0x9c: {  	[tilespmem:s15+$0xFFFFFFF0] =	vst v4  }
0x9d: {  	v4 =	vld [tilespmem:$0x2C40];
	_ =	sdelay $0x1  }
0x9e: {  	v5 =	vld [tilespmem:$0x2DE0]  }
0x9f: {  	v58 =	vbroadcast v3, $0x6;
	_ =	sdelay $0x1  }
0xa0: {  	v4 =	vmul.f32 v4, v58;
	_ =	sdelay $0x1  }
0xa1: {  	v4 =	vadd.f32 v5, v4;
	_ =	sdelay $0x1  }
0xa2: {  	[tilespmem:s15+$0x0] =	vst v4  }
0xa3: {  	v4 =	vld [tilespmem:$0x2C50];
	_ =	sdelay $0x1  }
0xa4: {  	v5 =	vld [tilespmem:$0x2DF0];
	_ =	sdelay $0x2  }
0xa5: {  	v4 =	vmul.f32 v4, v58;
	_ =	sdelay $0x1  }
0xa6: {  	v4 =	vadd.f32 v5, v4;
	_ =	sdelay $0x1  }
0xa7: {  	[tilespmem:s15+$0x10] =	vst v4  }
0xa8: {  	v4 =	vld [tilespmem:$0x2C60];
	_ =	sdelay $0x1  }
0xa9: {  	v5 =	vld [tilespmem:$0x2E00]  }
0xaa: {  	v59 =	vbroadcast v3, $0x7;
	_ =	sdelay $0x1  }
0xab: {  	v4 =	vmul.f32 v4, v59;
	_ =	sdelay $0x1  }
0xac: {  	v4 =	vadd.f32 v5, v4;
	_ =	sdelay $0x1  }
0xad: {  	[tilespmem:s15+$0x20] =	vst v4  }
0xae: {  	v4 =	vld [tilespmem:$0x2C70];
	_ =	sdelay $0x1  }
0xaf: {  	v5 =	vld [tilespmem:$0x2E10];
	_ =	sdelay $0x2  }
0xb0: {  	v4 =	vmul.f32 v4, v59;
	_ =	sdelay $0x1  }
0xb1: {  	v4 =	vadd.f32 v5, v4;
	_ =	sdelay $0x1  }
0xb2: {  	[tilespmem:s15+$0x30] =	vst v4  }
0xb3: {  	v4 =	vld [tilespmem:$0x2C80];
	_ =	sdelay $0x1  }
0xb4: {  	v5 =	vld [tilespmem:$0x2E20]  }
0xb5: {  	v60 =	vbroadcast v3, $0x8;
	_ =	sdelay $0x1  }
0xb6: {  	v4 =	vmul.f32 v4, v60;
	_ =	sdelay $0x1  }
0xb7: {  	v4 =	vadd.f32 v5, v4;
	_ =	sdelay $0x1  }
0xb8: {  	[tilespmem:s15+$0x40] =	vst v4  }
0xb9: {  	v4 =	vld [tilespmem:$0x2C90];
	_ =	sdelay $0x1  }
0xba: {  	v5 =	vld [tilespmem:$0x2E30];
	_ =	sdelay $0x2  }
0xbb: {  	v4 =	vmul.f32 v4, v60;
	_ =	sdelay $0x1  }
0xbc: {  	v4 =	vadd.f32 v5, v4;
	_ =	sdelay $0x1  }
0xbd: {  	[tilespmem:s15+$0x50] =	vst v4  }
0xbe: {  	v4 =	vld [tilespmem:$0x2CA0];
	_ =	sdelay $0x1  }
0xbf: {  	v5 =	vld [tilespmem:$0x2E40]  }
0xc0: {  	v61 =	vbroadcast v3, $0x9;
	_ =	sdelay $0x1  }
0xc1: {  	v4 =	vmul.f32 v4, v61;
	_ =	sdelay $0x1  }
0xc2: {  	v4 =	vadd.f32 v5, v4;
	_ =	sdelay $0x1  }
0xc3: {  	[tilespmem:s15+$0x60] =	vst v4  }
0xc4: {  	v4 =	vld [tilespmem:$0x2CB0];
	_ =	sdelay $0x1  }
0xc5: {  	v5 =	vld [tilespmem:$0x2E50];
	_ =	sdelay $0x2  }
0xc6: {  	v4 =	vmul.f32 v4, v61;
	_ =	sdelay $0x1  }
0xc7: {  	v4 =	vadd.f32 v5, v4;
	_ =	sdelay $0x1  }
0xc8: {  	[tilespmem:s15+$0x70] =	vst v4  }
0xc9: {  	v4 =	vld [tilespmem:$0x2CC0];
	_ =	sdelay $0x1  }
0xca: {  	v5 =	vld [tilespmem:$0x2E60]  }
0xcb: {  	v62 =	vbroadcast v3, $0xA;
	_ =	sdelay $0x1  }
0xcc: {  	v4 =	vmul.f32 v4, v62;
	_ =	sdelay $0x1  }
0xcd: {  	v4 =	vadd.f32 v5, v4;
	_ =	sdelay $0x1  }
0xce: {  	[tilespmem:s15+$0x80] =	vst v4  }
0xcf: {  	v4 =	vld [tilespmem:$0x2CD0];
	_ =	sdelay $0x1  }
0xd0: {  	v5 =	vld [tilespmem:$0x2E70];
	_ =	sdelay $0x2  }
0xd1: {  	v4 =	vmul.f32 v4, v62;
	_ =	sdelay $0x1  }
0xd2: {  	v4 =	vadd.f32 v5, v4;
	_ =	sdelay $0x1  }
0xd3: {  	[tilespmem:s15+$0x90] =	vst v4  }
0xd4: {  	v4 =	vld [tilespmem:$0x2CE0];
	_ =	sdelay $0x1  }
0xd5: {  	v5 =	vld [tilespmem:$0x2E80]  }
0xd6: {  	v63 =	vbroadcast v3, $0xB;
	_ =	sdelay $0x1  }
0xd7: {  	v4 =	vmul.f32 v4, v63;
	_ =	sdelay $0x1  }
0xd8: {  	v4 =	vadd.f32 v5, v4;
	_ =	sdelay $0x1  }
0xd9: {  	[tilespmem:s15+$0xA0] =	vst v4  }
0xda: {  	v4 =	vld [tilespmem:$0x2CF0];
	_ =	sdelay $0x1  }
0xdb: {  	v5 =	vld [tilespmem:$0x2E90];
	_ =	sdelay $0x2  }
0xdc: {  	v4 =	vmul.f32 v4, v63;
	_ =	sdelay $0x1  }
0xdd: {  	v4 =	vadd.f32 v5, v4;
	_ =	sdelay $0x1  }
0xde: {  	[tilespmem:s15+$0xB0] =	vst v4  }
0xdf: {  	v4 =	vld [tilespmem:$0x2D00];
	_ =	sdelay $0x1  }
0xe0: {  	v5 =	vld [tilespmem:$0x2EA0]  }
0xe1: {  	v3 =	vbroadcast v3, $0xC;
	_ =	sdelay $0x1  }
0xe2: {  	v4 =	vmul.f32 v4, v3;
	_ =	sdelay $0x1  }
0xe3: {  	v4 =	vadd.f32 v5, v4;
	_ =	sdelay $0x1  }
0xe4: {  	[tilespmem:s15+$0xC0] =	vst v4  }
0xe5: {  	v4 =	vld [tilespmem:$0x2D10];
	_ =	sdelay $0x1  }
0xe6: {  	v5 =	vld [tilespmem:$0x2EB0];
	_ =	sdelay $0x2  }
0xe7: {  	s1 =	simm.s32 $0x10180;
	v3 =	vmul.f32 v4, v3  }
0xe8: {  	[tilespmem:s1+$0xFFFFFF30] =	vst v1  }
0xe9: {  	s17 =	simm.s32 $0x10;
	s18 =	simm.s32 $0x80;
	[tilespmem:s1+$0xFFFFFF20] =	vst v2;
	v3 =	vadd.f32 v5, v3  }
.LBB2_7:
0xea: {  	_ = 	snop  }
0xeb: {  	s19 =	sshra.s32 s18, $0x2;
	p0 =	sne.s32 s18, $0xFC0;
	s18 =	sadd.s32 $0x40, s18;
	[tilespmem:s15+$0xD0] =	vst v3  }
0xec: {  	s15 =	smov.u32 s1;
	v3 =	vld [tilespmem:s17+$0x2780];
	s17 =	smov.u32 s19;
	_ =	sdelay $0x1  }
0xed: {  	v4 =	vld [tilespmem:$0x2B80];
	_ =	sdelay $0x1  }
0xee: {  	v5 =	vld [tilespmem:$0x2D20]  }
0xef: {  	v6 =	vbroadcast v3, $0x0;
	_ =	sdelay $0x1  }
0xf0: {  	v4 =	vmul.f32 v4, v6;
	_ =	sdelay $0x1  }
0xf1: {  	v4 =	vadd.f32 v5, v4;
	_ =	sdelay $0x1  }
0xf2: {  	[tilespmem:s1+$0xFFFFFF40] =	vst v4  }
0xf3: {  	v4 =	vld [tilespmem:$0x2B90];
	_ =	sdelay $0x1  }
0xf4: {  	v5 =	vld [tilespmem:$0x2D30];
	_ =	sdelay $0x2  }
0xf5: {  	v4 =	vmul.f32 v4, v6;
	_ =	sdelay $0x1  }
0xf6: {  	v4 =	vadd.f32 v5, v4;
	_ =	sdelay $0x1  }
0xf7: {  	[tilespmem:s1+$0xFFFFFF50] =	vst v4  }
0xf8: {  	v4 =	vld [tilespmem:$0x2BA0];
	_ =	sdelay $0x1  }
0xf9: {  	v5 =	vld [tilespmem:$0x2D40]  }
0xfa: {  	v6 =	vbroadcast v3, $0x1;
	_ =	sdelay $0x1  }
0xfb: {  	v4 =	vmul.f32 v4, v6;
	_ =	sdelay $0x1  }
0xfc: {  	v4 =	vadd.f32 v5, v4;
	_ =	sdelay $0x1  }
0xfd: {  	[tilespmem:s1+$0xFFFFFF60] =	vst v4  }
0xfe: {  	v4 =	vld [tilespmem:$0x2BB0];
	_ =	sdelay $0x1  }
0xff: {  	v5 =	vld [tilespmem:$0x2D50];
	_ =	sdelay $0x2  }
0x100: {  	v4 =	vmul.f32 v4, v6;
	_ =	sdelay $0x1  }
0x101: {  	v4 =	vadd.f32 v5, v4;
	_ =	sdelay $0x1  }
0x102: {  	[tilespmem:s1+$0xFFFFFF70] =	vst v4  }
0x103: {  	v4 =	vld [tilespmem:$0x2BC0];
	_ =	sdelay $0x1  }
0x104: {  	v5 =	vld [tilespmem:$0x2D60]  }
0x105: {  	v6 =	vbroadcast v3, $0x2;
	_ =	sdelay $0x1  }
0x106: {  	v4 =	vmul.f32 v4, v6;
	_ =	sdelay $0x1  }
0x107: {  	v4 =	vadd.f32 v5, v4;
	_ =	sdelay $0x1  }
0x108: {  	[tilespmem:s1+$0xFFFFFF80] =	vst v4  }
0x109: {  	v4 =	vld [tilespmem:$0x2BD0];
	_ =	sdelay $0x1  }
0x10a: {  	v5 =	vld [tilespmem:$0x2D70];
	_ =	sdelay $0x2  }
0x10b: {  	v4 =	vmul.f32 v4, v6;
	_ =	sdelay $0x1  }
0x10c: {  	v4 =	vadd.f32 v5, v4;
	_ =	sdelay $0x1  }
0x10d: {  	[tilespmem:s1+$0xFFFFFF90] =	vst v4  }
0x10e: {  	v4 =	vld [tilespmem:$0x2BE0];
	_ =	sdelay $0x1  }
0x10f: {  	v5 =	vld [tilespmem:$0x2D80]  }
0x110: {  	v6 =	vbroadcast v3, $0x3;
	_ =	sdelay $0x1  }
0x111: {  	v4 =	vmul.f32 v4, v6;
	_ =	sdelay $0x1  }
0x112: {  	v4 =	vadd.f32 v5, v4;
	_ =	sdelay $0x1  }
0x113: {  	[tilespmem:s1+$0xFFFFFFA0] =	vst v4  }
0x114: {  	v4 =	vld [tilespmem:$0x2BF0];
	_ =	sdelay $0x1  }
0x115: {  	v5 =	vld [tilespmem:$0x2D90];
	_ =	sdelay $0x2  }
0x116: {  	v4 =	vmul.f32 v4, v6;
	_ =	sdelay $0x1  }
0x117: {  	v4 =	vadd.f32 v5, v4;
	_ =	sdelay $0x1  }
0x118: {  	[tilespmem:s1+$0xFFFFFFB0] =	vst v4  }
0x119: {  	v4 =	vld [tilespmem:$0x2C00];
	_ =	sdelay $0x1  }
0x11a: {  	v5 =	vld [tilespmem:$0x2DA0]  }
0x11b: {  	v6 =	vbroadcast v3, $0x4;
	_ =	sdelay $0x1  }
0x11c: {  	v4 =	vmul.f32 v4, v6;
	_ =	sdelay $0x1  }
0x11d: {  	v4 =	vadd.f32 v5, v4;
	_ =	sdelay $0x1  }
0x11e: {  	[tilespmem:s1+$0xFFFFFFC0] =	vst v4  }
0x11f: {  	v4 =	vld [tilespmem:$0x2C10];
	_ =	sdelay $0x1  }
0x120: {  	v5 =	vld [tilespmem:$0x2DB0];
	_ =	sdelay $0x2  }
0x121: {  	v4 =	vmul.f32 v4, v6;
	_ =	sdelay $0x1  }
0x122: {  	v4 =	vadd.f32 v5, v4;
	_ =	sdelay $0x1  }
0x123: {  	[tilespmem:s1+$0xFFFFFFD0] =	vst v4  }
0x124: {  	v4 =	vld [tilespmem:$0x2C20];
	_ =	sdelay $0x1  }
0x125: {  	v5 =	vld [tilespmem:$0x2DC0]  }
0x126: {  	v6 =	vbroadcast v3, $0x5;
	_ =	sdelay $0x1  }
0x127: {  	v4 =	vmul.f32 v4, v6;
	_ =	sdelay $0x1  }
0x128: {  	v4 =	vadd.f32 v5, v4;
	_ =	sdelay $0x1  }
0x129: {  	[tilespmem:s1+$0xFFFFFFE0] =	vst v4  }
0x12a: {  	v4 =	vld [tilespmem:$0x2C30];
	_ =	sdelay $0x1  }
0x12b: {  	v5 =	vld [tilespmem:$0x2DD0];
	_ =	sdelay $0x2  }
0x12c: {  	v4 =	vmul.f32 v4, v6;
	_ =	sdelay $0x1  }
0x12d: {  	v4 =	vadd.f32 v5, v4;
	_ =	sdelay $0x1  }
0x12e: {  	[tilespmem:s1+$0xFFFFFFF0] =	vst v4  }
0x12f: {  	v4 =	vld [tilespmem:$0x2C40];
	_ =	sdelay $0x1  }
0x130: {  	v5 =	vld [tilespmem:$0x2DE0]  }
0x131: {  	v6 =	vbroadcast v3, $0x6;
	_ =	sdelay $0x1  }
0x132: {  	v4 =	vmul.f32 v4, v6;
	_ =	sdelay $0x1  }
0x133: {  	v4 =	vadd.f32 v5, v4;
	_ =	sdelay $0x1  }
0x134: {  	[tilespmem:s1+$0x0] =	vst v4  }
0x135: {  	v4 =	vld [tilespmem:$0x2C50];
	_ =	sdelay $0x1  }
0x136: {  	v5 =	vld [tilespmem:$0x2DF0];
	_ =	sdelay $0x2  }
0x137: {  	v4 =	vmul.f32 v4, v6;
	_ =	sdelay $0x1  }
0x138: {  	v4 =	vadd.f32 v5, v4;
	_ =	sdelay $0x1  }
0x139: {  	[tilespmem:s1+$0x10] =	vst v4  }
0x13a: {  	v4 =	vld [tilespmem:$0x2C60]  }
0x13b: {  	v5 =	vld [tilespmem:$0x2E00];
	_ =	sdelay $0x1  }
0x13c: {  	v6 =	vbroadcast v3, $0x7;
	_ =	sdelay $0x1  }
0x13d: {  	v4 =	vmul.f32 v4, v6;
	_ =	sdelay $0x1  }
0x13e: {  	v4 =	vadd.f32 v5, v4;
	_ =	sdelay $0x1  }
0x13f: {  	[tilespmem:s1+$0x20] =	vst v4  }
0x140: {  	v4 =	vld [tilespmem:$0x2C70]  }
0x141: {  	v5 =	vld [tilespmem:$0x2E10];
	_ =	sdelay $0x3  }
0x142: {  	v4 =	vmul.f32 v4, v6;
	_ =	sdelay $0x1  }
0x143: {  	v4 =	vadd.f32 v5, v4;
	_ =	sdelay $0x1  }
0x144: {  	[tilespmem:s1+$0x30] =	vst v4  }
0x145: {  	v4 =	vld [tilespmem:$0x2C80]  }
0x146: {  	v5 =	vld [tilespmem:$0x2E20];
	_ =	sdelay $0x1  }
0x147: {  	v6 =	vbroadcast v3, $0x8;
	_ =	sdelay $0x1  }
0x148: {  	v4 =	vmul.f32 v4, v6;
	_ =	sdelay $0x1  }
0x149: {  	v4 =	vadd.f32 v5, v4;
	_ =	sdelay $0x1  }
0x14a: {  	[tilespmem:s1+$0x40] =	vst v4  }
0x14b: {  	v4 =	vld [tilespmem:$0x2C90]  }
0x14c: {  	v5 =	vld [tilespmem:$0x2E30];
	_ =	sdelay $0x3  }
0x14d: {  	v4 =	vmul.f32 v4, v6;
	_ =	sdelay $0x1  }
0x14e: {  	v4 =	vadd.f32 v5, v4;
	_ =	sdelay $0x1  }
0x14f: {  	[tilespmem:s1+$0x50] =	vst v4  }
0x150: {  	v4 =	vld [tilespmem:$0x2CA0]  }
0x151: {  	v5 =	vld [tilespmem:$0x2E40];
	_ =	sdelay $0x1  }
0x152: {  	v6 =	vbroadcast v3, $0x9;
	_ =	sdelay $0x1  }
0x153: {  	v4 =	vmul.f32 v4, v6;
	_ =	sdelay $0x1  }
0x154: {  	v4 =	vadd.f32 v5, v4;
	_ =	sdelay $0x1  }
0x155: {  	[tilespmem:s1+$0x60] =	vst v4  }
0x156: {  	v4 =	vld [tilespmem:$0x2CB0]  }
0x157: {  	v5 =	vld [tilespmem:$0x2E50];
	_ =	sdelay $0x3  }
0x158: {  	v4 =	vmul.f32 v4, v6;
	_ =	sdelay $0x1  }
0x159: {  	v4 =	vadd.f32 v5, v4;
	_ =	sdelay $0x1  }
0x15a: {  	[tilespmem:s1+$0x70] =	vst v4  }
0x15b: {  	v4 =	vld [tilespmem:$0x2CC0]  }
0x15c: {  	v5 =	vld [tilespmem:$0x2E60];
	_ =	sdelay $0x1  }
0x15d: {  	v6 =	vbroadcast v3, $0xA;
	_ =	sdelay $0x1  }
0x15e: {  	v4 =	vmul.f32 v4, v6;
	_ =	sdelay $0x1  }
0x15f: {  	v4 =	vadd.f32 v5, v4;
	_ =	sdelay $0x1  }
0x160: {  	[tilespmem:s1+$0x80] =	vst v4  }
0x161: {  	v4 =	vld [tilespmem:$0x2CD0]  }
0x162: {  	v5 =	vld [tilespmem:$0x2E70];
	_ =	sdelay $0x3  }
0x163: {  	v4 =	vmul.f32 v4, v6;
	_ =	sdelay $0x1  }
0x164: {  	v4 =	vadd.f32 v5, v4;
	_ =	sdelay $0x1  }
0x165: {  	[tilespmem:s1+$0x90] =	vst v4  }
0x166: {  	v4 =	vld [tilespmem:$0x2CE0]  }
0x167: {  	v5 =	vld [tilespmem:$0x2E80];
	_ =	sdelay $0x1  }
0x168: {  	v6 =	vbroadcast v3, $0xB;
	_ =	sdelay $0x1  }
0x169: {  	v4 =	vmul.f32 v4, v6;
	_ =	sdelay $0x1  }
0x16a: {  	v4 =	vadd.f32 v5, v4;
	_ =	sdelay $0x1  }
0x16b: {  	[tilespmem:s1+$0xA0] =	vst v4  }
0x16c: {  	v4 =	vld [tilespmem:$0x2CF0]  }
0x16d: {  	v5 =	vld [tilespmem:$0x2E90];
	_ =	sdelay $0x3  }
0x16e: {  	v4 =	vmul.f32 v4, v6;
	_ =	sdelay $0x1  }
0x16f: {  	v4 =	vadd.f32 v5, v4;
	_ =	sdelay $0x1  }
0x170: {  	[tilespmem:s1+$0xB0] =	vst v4  }
0x171: {  	v4 =	vld [tilespmem:$0x2D00]  }
0x172: {  	v5 =	vld [tilespmem:$0x2EA0];
	_ =	sdelay $0x1  }
0x173: {  	v3 =	vbroadcast v3, $0xC;
	_ =	sdelay $0x1  }
0x174: {  	v4 =	vmul.f32 v4, v3;
	_ =	sdelay $0x1  }
0x175: {  	v4 =	vadd.f32 v5, v4;
	_ =	sdelay $0x1  }
0x176: {  	[tilespmem:s1+$0xC0] =	vst v4  }
0x177: {  	s1 =	sadd.s32 $0x1C0, s1;
	v4 =	vld [tilespmem:$0x2D10]  }
0x178: {  	v5 =	vld [tilespmem:$0x2EB0]  }
0x179: {  	[tilespmem:s1+$0xFFFFFF30] =	vst v1  }
.Ltmp2:
0x17a: {  	[tilespmem:s1+$0xFFFFFF20] =	vst v2;
	(pc) =	sbr.rel @p0 .LBB2_7-.Ltmp2, $3  }
0x17b: {  	_ = 	snop  }
0x17c: {  	v3 =	vmul.f32 v4, v3;
	_ =	sdelay $0x1  }
0x17d: {  	v3 =	vadd.f32 v5, v3  }
0x17e: {  	_ = 	snop  }
0x17f: {  	[tilespmem:s15+$0xD0] =	vst v3  }
0x180: {  	v1 =	vld [tilespmem:s17+$0x2780];
	_ =	sdelay $0x1  }
0x181: {  	v2 =	vld [tilespmem:$0x2B80];
	_ =	sdelay $0x1  }
0x182: {  	v3 =	vld [tilespmem:$0x2D20]  }
0x183: {  	v4 =	vbroadcast v1, $0x0;
	_ =	sdelay $0x1  }
0x184: {  	v2 =	vmul.f32 v2, v4;
	_ =	sdelay $0x1  }
0x185: {  	v2 =	vadd.f32 v3, v2;
	_ =	sdelay $0x1  }
0x186: {  	[tilespmem:s1+$0xFFFFFF40] =	vst v2  }
0x187: {  	v2 =	vld [tilespmem:$0x2B90];
	_ =	sdelay $0x1  }
0x188: {  	v3 =	vld [tilespmem:$0x2D30];
	_ =	sdelay $0x2  }
0x189: {  	v2 =	vmul.f32 v2, v4;
	_ =	sdelay $0x1  }
0x18a: {  	v2 =	vadd.f32 v3, v2;
	_ =	sdelay $0x1  }
0x18b: {  	[tilespmem:s1+$0xFFFFFF50] =	vst v2  }
0x18c: {  	v2 =	vld [tilespmem:$0x2BA0];
	_ =	sdelay $0x1  }
0x18d: {  	v3 =	vld [tilespmem:$0x2D40]  }
0x18e: {  	v53 =	vbroadcast v1, $0x1;
	_ =	sdelay $0x1  }
0x18f: {  	v2 =	vmul.f32 v2, v53;
	_ =	sdelay $0x1  }
0x190: {  	v2 =	vadd.f32 v3, v2;
	_ =	sdelay $0x1  }
0x191: {  	[tilespmem:s1+$0xFFFFFF60] =	vst v2  }
0x192: {  	v2 =	vld [tilespmem:$0x2BB0];
	_ =	sdelay $0x1  }
0x193: {  	v3 =	vld [tilespmem:$0x2D50];
	_ =	sdelay $0x2  }
0x194: {  	v2 =	vmul.f32 v2, v53;
	_ =	sdelay $0x1  }
0x195: {  	v2 =	vadd.f32 v3, v2;
	_ =	sdelay $0x1  }
0x196: {  	[tilespmem:s1+$0xFFFFFF70] =	vst v2  }
0x197: {  	v2 =	vld [tilespmem:$0x2BC0];
	_ =	sdelay $0x1  }
0x198: {  	v3 =	vld [tilespmem:$0x2D60]  }
0x199: {  	v54 =	vbroadcast v1, $0x2;
	_ =	sdelay $0x1  }
0x19a: {  	v2 =	vmul.f32 v2, v54;
	_ =	sdelay $0x1  }
0x19b: {  	v2 =	vadd.f32 v3, v2;
	_ =	sdelay $0x1  }
0x19c: {  	[tilespmem:s1+$0xFFFFFF80] =	vst v2  }
0x19d: {  	v2 =	vld [tilespmem:$0x2BD0];
	_ =	sdelay $0x1  }
0x19e: {  	v3 =	vld [tilespmem:$0x2D70];
	_ =	sdelay $0x2  }
0x19f: {  	v2 =	vmul.f32 v2, v54;
	_ =	sdelay $0x1  }
0x1a0: {  	v2 =	vadd.f32 v3, v2;
	_ =	sdelay $0x1  }
0x1a1: {  	[tilespmem:s1+$0xFFFFFF90] =	vst v2  }
0x1a2: {  	v2 =	vld [tilespmem:$0x2BE0];
	_ =	sdelay $0x1  }
0x1a3: {  	v3 =	vld [tilespmem:$0x2D80]  }
0x1a4: {  	v55 =	vbroadcast v1, $0x3;
	_ =	sdelay $0x1  }
0x1a5: {  	v2 =	vmul.f32 v2, v55;
	_ =	sdelay $0x1  }
0x1a6: {  	v2 =	vadd.f32 v3, v2;
	_ =	sdelay $0x1  }
0x1a7: {  	[tilespmem:s1+$0xFFFFFFA0] =	vst v2  }
0x1a8: {  	v2 =	vld [tilespmem:$0x2BF0];
	_ =	sdelay $0x1  }
0x1a9: {  	v3 =	vld [tilespmem:$0x2D90];
	_ =	sdelay $0x2  }
0x1aa: {  	v2 =	vmul.f32 v2, v55;
	_ =	sdelay $0x1  }
0x1ab: {  	v2 =	vadd.f32 v3, v2;
	_ =	sdelay $0x1  }
0x1ac: {  	[tilespmem:s1+$0xFFFFFFB0] =	vst v2  }
0x1ad: {  	v2 =	vld [tilespmem:$0x2C00];
	_ =	sdelay $0x1  }
0x1ae: {  	v3 =	vld [tilespmem:$0x2DA0]  }
0x1af: {  	v56 =	vbroadcast v1, $0x4;
	_ =	sdelay $0x1  }
0x1b0: {  	v2 =	vmul.f32 v2, v56;
	_ =	sdelay $0x1  }
0x1b1: {  	v2 =	vadd.f32 v3, v2;
	_ =	sdelay $0x1  }
0x1b2: {  	[tilespmem:s1+$0xFFFFFFC0] =	vst v2  }
0x1b3: {  	v2 =	vld [tilespmem:$0x2C10];
	_ =	sdelay $0x1  }
0x1b4: {  	v3 =	vld [tilespmem:$0x2DB0];
	_ =	sdelay $0x2  }
0x1b5: {  	v2 =	vmul.f32 v2, v56;
	_ =	sdelay $0x1  }
0x1b6: {  	v2 =	vadd.f32 v3, v2;
	_ =	sdelay $0x1  }
0x1b7: {  	[tilespmem:s1+$0xFFFFFFD0] =	vst v2  }
0x1b8: {  	v2 =	vld [tilespmem:$0x2C20];
	_ =	sdelay $0x1  }
0x1b9: {  	v3 =	vld [tilespmem:$0x2DC0]  }
0x1ba: {  	v57 =	vbroadcast v1, $0x5;
	_ =	sdelay $0x1  }
0x1bb: {  	v2 =	vmul.f32 v2, v57;
	_ =	sdelay $0x1  }
0x1bc: {  	v2 =	vadd.f32 v3, v2;
	_ =	sdelay $0x1  }
0x1bd: {  	[tilespmem:s1+$0xFFFFFFE0] =	vst v2  }
0x1be: {  	v2 =	vld [tilespmem:$0x2C30];
	_ =	sdelay $0x1  }
0x1bf: {  	v3 =	vld [tilespmem:$0x2DD0];
	_ =	sdelay $0x2  }
0x1c0: {  	v2 =	vmul.f32 v2, v57;
	_ =	sdelay $0x1  }
0x1c1: {  	v2 =	vadd.f32 v3, v2;
	_ =	sdelay $0x1  }
0x1c2: {  	[tilespmem:s1+$0xFFFFFFF0] =	vst v2  }
0x1c3: {  	v2 =	vld [tilespmem:$0x2C40];
	_ =	sdelay $0x1  }
0x1c4: {  	v3 =	vld [tilespmem:$0x2DE0]  }
0x1c5: {  	v58 =	vbroadcast v1, $0x6;
	_ =	sdelay $0x1  }
0x1c6: {  	v2 =	vmul.f32 v2, v58;
	_ =	sdelay $0x1  }
0x1c7: {  	v2 =	vadd.f32 v3, v2;
	_ =	sdelay $0x1  }
0x1c8: {  	[tilespmem:s1+$0x0] =	vst v2  }
0x1c9: {  	v2 =	vld [tilespmem:$0x2C50];
	_ =	sdelay $0x1  }
0x1ca: {  	v3 =	vld [tilespmem:$0x2DF0];
	_ =	sdelay $0x2  }
0x1cb: {  	v2 =	vmul.f32 v2, v58;
	_ =	sdelay $0x1  }
0x1cc: {  	v2 =	vadd.f32 v3, v2;
	_ =	sdelay $0x1  }
0x1cd: {  	[tilespmem:s1+$0x10] =	vst v2  }
0x1ce: {  	v2 =	vld [tilespmem:$0x2C60];
	_ =	sdelay $0x1  }
0x1cf: {  	v3 =	vld [tilespmem:$0x2E00]  }
0x1d0: {  	v59 =	vbroadcast v1, $0x7;
	_ =	sdelay $0x1  }
0x1d1: {  	v2 =	vmul.f32 v2, v59;
	_ =	sdelay $0x1  }
0x1d2: {  	v2 =	vadd.f32 v3, v2;
	_ =	sdelay $0x1  }
0x1d3: {  	[tilespmem:s1+$0x20] =	vst v2  }
0x1d4: {  	v2 =	vld [tilespmem:$0x2C70];
	_ =	sdelay $0x1  }
0x1d5: {  	v3 =	vld [tilespmem:$0x2E10];
	_ =	sdelay $0x2  }
0x1d6: {  	v2 =	vmul.f32 v2, v59;
	_ =	sdelay $0x1  }
0x1d7: {  	v2 =	vadd.f32 v3, v2;
	_ =	sdelay $0x1  }
0x1d8: {  	[tilespmem:s1+$0x30] =	vst v2  }
0x1d9: {  	v2 =	vld [tilespmem:$0x2C80];
	_ =	sdelay $0x1  }
0x1da: {  	v3 =	vld [tilespmem:$0x2E20]  }
0x1db: {  	v60 =	vbroadcast v1, $0x8;
	_ =	sdelay $0x1  }
0x1dc: {  	v2 =	vmul.f32 v2, v60;
	_ =	sdelay $0x1  }
0x1dd: {  	v2 =	vadd.f32 v3, v2;
	_ =	sdelay $0x1  }
0x1de: {  	[tilespmem:s1+$0x40] =	vst v2  }
0x1df: {  	v2 =	vld [tilespmem:$0x2C90];
	_ =	sdelay $0x1  }
0x1e0: {  	v3 =	vld [tilespmem:$0x2E30];
	_ =	sdelay $0x2  }
0x1e1: {  	v2 =	vmul.f32 v2, v60;
	_ =	sdelay $0x1  }
0x1e2: {  	v2 =	vadd.f32 v3, v2;
	_ =	sdelay $0x1  }
0x1e3: {  	[tilespmem:s1+$0x50] =	vst v2  }
0x1e4: {  	v2 =	vld [tilespmem:$0x2CA0];
	_ =	sdelay $0x1  }
0x1e5: {  	v3 =	vld [tilespmem:$0x2E40]  }
0x1e6: {  	v61 =	vbroadcast v1, $0x9;
	_ =	sdelay $0x1  }
0x1e7: {  	v2 =	vmul.f32 v2, v61;
	_ =	sdelay $0x1  }
0x1e8: {  	v2 =	vadd.f32 v3, v2;
	_ =	sdelay $0x1  }
0x1e9: {  	[tilespmem:s1+$0x60] =	vst v2  }
0x1ea: {  	v2 =	vld [tilespmem:$0x2CB0];
	_ =	sdelay $0x1  }
0x1eb: {  	v3 =	vld [tilespmem:$0x2E50];
	_ =	sdelay $0x2  }
0x1ec: {  	v2 =	vmul.f32 v2, v61;
	_ =	sdelay $0x1  }
0x1ed: {  	v2 =	vadd.f32 v3, v2;
	_ =	sdelay $0x1  }
0x1ee: {  	[tilespmem:s1+$0x70] =	vst v2  }
0x1ef: {  	v2 =	vld [tilespmem:$0x2CC0];
	_ =	sdelay $0x1  }
0x1f0: {  	v3 =	vld [tilespmem:$0x2E60]  }
0x1f1: {  	v62 =	vbroadcast v1, $0xA;
	_ =	sdelay $0x1  }
0x1f2: {  	v2 =	vmul.f32 v2, v62;
	_ =	sdelay $0x1  }
0x1f3: {  	v2 =	vadd.f32 v3, v2;
	_ =	sdelay $0x1  }
0x1f4: {  	[tilespmem:s1+$0x80] =	vst v2  }
0x1f5: {  	v2 =	vld [tilespmem:$0x2CD0];
	_ =	sdelay $0x1  }
0x1f6: {  	v3 =	vld [tilespmem:$0x2E70];
	_ =	sdelay $0x2  }
0x1f7: {  	v2 =	vmul.f32 v2, v62;
	_ =	sdelay $0x1  }
0x1f8: {  	v2 =	vadd.f32 v3, v2;
	_ =	sdelay $0x1  }
0x1f9: {  	[tilespmem:s1+$0x90] =	vst v2  }
0x1fa: {  	v2 =	vld [tilespmem:$0x2CE0];
	_ =	sdelay $0x1  }
0x1fb: {  	v3 =	vld [tilespmem:$0x2E80]  }
0x1fc: {  	v63 =	vbroadcast v1, $0xB;
	_ =	sdelay $0x1  }
0x1fd: {  	v2 =	vmul.f32 v2, v63;
	_ =	sdelay $0x1  }
0x1fe: {  	v2 =	vadd.f32 v3, v2;
	_ =	sdelay $0x1  }
0x1ff: {  	[tilespmem:s1+$0xA0] =	vst v2  }
0x200: {  	v2 =	vld [tilespmem:$0x2CF0];
	_ =	sdelay $0x1  }
0x201: {  	v3 =	vld [tilespmem:$0x2E90];
	_ =	sdelay $0x2  }
0x202: {  	v2 =	vmul.f32 v2, v63;
	_ =	sdelay $0x1  }
0x203: {  	v2 =	vadd.f32 v3, v2;
	_ =	sdelay $0x1  }
0x204: {  	[tilespmem:s1+$0xB0] =	vst v2  }
0x205: {  	v2 =	vld [tilespmem:$0x2D00];
	_ =	sdelay $0x1  }
0x206: {  	v3 =	vld [tilespmem:$0x2EA0]  }
0x207: {  	v1 =	vbroadcast v1, $0xC;
	_ =	sdelay $0x1  }
0x208: {  	v2 =	vmul.f32 v2, v1;
	_ =	sdelay $0x1  }
0x209: {  	v2 =	vadd.f32 v3, v2;
	_ =	sdelay $0x1  }
0x20a: {  	[tilespmem:s1+$0xC0] =	vst v2  }
0x20b: {  	v2 =	vld [tilespmem:$0x2D10];
	_ =	sdelay $0x1  }
0x20c: {  	v3 =	vld [tilespmem:$0x2EB0];
	_ =	sdelay $0x2  }
0x20d: {  	v1 =	vmul.f32 v2, v1;
	_ =	sdelay $0x1  }
0x20e: {  	v1 =	vadd.f32 v3, v1;
	_ =	sdelay $0x1  }
0x20f: {  	[tilespmem:s1+$0xD0] =	vst v1  }
0x210: {  	[hbm4b:s2+s25] =	stream.indirect.scatter [tilespmem:s28], [sflag:$0x2], $0x20, s26, s25, $0xb8;
	[tilespmem:$0x16EE0] =	vst v63  }
0x211: {  	_ =	swait.ge [sflag:s29], $0xD000  }
0x212: {  	[sflag:s29] =	ssyncset.done $0x0  }
0x213: {  	s8 =	sadd.s32 $0x1, s8;
	[sflag:s29] =	ssyncadd.s32 $0xFFFF3000  }
0x214: {  	[hbm4b:s2+s23] =	stream.indirect.scatter [tilespmem:s24], [sflag:$0x2], $0x20, s30, s23, $0xb8;
	[tilespmem:$0x16EE0] =	vst v63  }
0x215: {  	p0 =	sne.s32 s8, $0x8;
	_ =	swait.ge [sflag:s31], $0x7000  }
.Ltmp3:
0x216: {  	[sflag:s31] =	ssyncset.done $0x0;
	(pc) =	sbr.rel @p0 .LBB2_2-.Ltmp3, $4  }
0x217: {  	[sflag:s31] =	ssyncadd.s32 $0xFFFF9000  }
0x218: {  	_ =	swait.ge [sflag:s31], $0xD000  }
0x219: {  	[sflag:s31] =	ssyncset.done $0x0  }
0x21a: {  	[sflag:s31] =	ssyncadd.s32 $0xFFFF3000  }
0x21b: {  	s0 =	sadd.s32 $0x1, s0  }
0x21c: {  	p0 =	sne.s32 s0, s14  }
.Ltmp4:
0x21d: {  	_ = 	snop;
	(pc) =	sbr.rel @p0 .LBB2_1-.Ltmp4, $1  }
0x21e: {  	_ =	sdelay $0x3  }
0x21f: {  	_ =	sfence.sel $0x180000  }
0x220: {  	[bflag:$0x0] =	sbarrier.arrive $0xFFFF  }
0x221: {  	_ =	strace $0x90000047  }
0x222: {  	s0 =	stileid.u32;
	[bflag:$0x2] =	sbarrier.arrive $0xFFFF  }
0x223: {  	p0 =	sne.s32 s0, $0x0;
	s0 =	rddreg [dreg:$0x3]  }
0x224: {  	s0 =	sadd.s32 @!p0 $0x100000, s0  }
0x225: {  	[sflag:s0] =	ssyncadd.tile.s32 @!p0 $0x1;
	_ =	shalt  }
.Lfunc_end2:
_tile_overlayer_lowered:
.L_overlay_start_2:
0x226: {  	(tag) =	ssettag $0x2  }
0x227: {  	s0 =	rddreg [dreg:$0x0];
	s2 =	stileid.u32  }
0x228: {  	s1 =	rddreg [dreg:$0x1];
	p0 =	sne.s32 s2, $0x0  }
0x229: {  	s3 =	rddreg [dreg:$0x2];
	[bflag:$0x3] =	sbarrier.arrive $0xFFFF;
	s2 =	simm.s32 @!p0 $0x1C03  }
0x22a: {  	[timem:s3], [sflag:s2] =	dma.local @!p0 [hbm:s0], s1  }
0x22b: {  	s0 =	simm.s32 @!p0 $0x3  }
0x22c: {  	_ =	swait.ge @!p0 [sflag:s0], s1  }
0x22d: {  	s1 =	ssub.s32 @!p0 $0x0, s1;
	[sflag:s0] =	ssyncset.done @!p0 $0x0  }
0x22e: {  	[sflag:s0] =	ssyncadd.s32 @!p0 s1  }
0x22f: {  	[bflag:$0x3] =	sbarrier.arrive $0xFFFF  }
0x230: {  	_ =	shalt  }

</sc_bundles>
